<compile_context>
chip_gen: v7x
topology: tpu7x:2x2x1
jax: 0.10.2.dev20260603
libtpu: 0.0.44.dev20260713+nightly
codegen_flags: <defaults>
</compile_context>

<pallas_src>
import functools

import jax
import jax.numpy as jnp
from jax import lax
from jax.experimental import pallas as pl
from jax.experimental.pallas import tpu as pltpu
from jax.experimental.pallas import tpu_sc as plsc

L = 12
H = 16
HS = 64
IN1 = 1024
IN3 = 4096
_TOP = 0x7FFFFFFF



def _sq_reduce_body(w1_ref, w3_ref, colsq_ref, sc3_ref):
    x1 = w1_ref[0]
    colsq_ref[0, 0, :] = jnp.sum(x1 * x1, axis=0)
    x3 = w3_ref[0]
    sc3_ref[0, 0, :] = jnp.sum(x3 * x3, axis=0)


def _tc_reduce(W1, W3):
    return pl.pallas_call(
        _sq_reduce_body,
        grid=(L, 4),
        in_specs=[
            pl.BlockSpec((1, IN1, IN1 // 4), lambda l, c: (l, 0, c)),
            pl.BlockSpec((1, IN1, IN3 // 4), lambda l, c: (l, 0, c)),
        ],
        out_specs=[
            pl.BlockSpec((1, 1, IN1 // 4), lambda l, c: (l, 0, c)),
            pl.BlockSpec((1, 1, IN3 // 4), lambda l, c: (l, 0, c)),
        ],
        out_shape=[
            jax.ShapeDtypeStruct((L, 1, IN1), jnp.float32),
            jax.ShapeDtypeStruct((L, 1, IN3), jnp.float32),
        ],
    )(W1, W3)



def _sc_body(colsq_hbm, sc3_hbm, pi_hbm, pf_hbm, out_hbm,
             bufa, bufb, buf1k, pi_v, pf_v, outv):
    cid = lax.axis_index("c")
    sid = lax.axis_index("s")
    wid = cid * 16 + sid
    lane = lax.iota(jnp.int32, 16)
    zeros_f = jnp.zeros((16,), jnp.float32)
    zeros_i = jnp.zeros((16,), jnp.int32)
    top_v = jnp.full((16,), _TOP, jnp.int32)
    outv[...] = zeros_f

    @pl.when((cid == 0) & (sid < L))
    def _big():
        pltpu.sync_copy(sc3_hbm.at[sid], bufa.at[pl.ds(0, IN3)])
        pltpu.sync_copy(pi_hbm.at[sid], pi_v)
        pltpu.sync_copy(pf_hbm.at[sid], pf_v)
        k2 = pi_v[pl.ds(16, 16)][1]
        y1 = pf_v[pl.ds(16, 16)][1]

        @plsc.parallel_loop(0, IN3 // 16, unroll=8,
                            carry=(zeros_f, zeros_i,
                                   jnp.full((16,), _TOP, jnp.int32)))
        def _init(i, c):
            tv, mx, mn = c
            wb = bufa[pl.ds(i * 16, 16)]
            return (tv + lax.bitcast_convert_type(wb, jnp.float32),
                    jnp.maximum(mx, wb), jnp.minimum(mn, wb))

        totv, mxv, mnv = _init
        tot_s = jnp.sum(totv)
        lo0 = jnp.min(mnv)
        hi0 = jnp.max(mxv)

        def live(c):
            n, k_rem, lo, hi, bs = c
            return (n > 16) & (lo < hi)

        def qpass(c):
            n, k_rem, lo, hi, bs = c
            mid = lo + lax.shift_right_logical(hi - lo, 1)
            nch = (n + 15) // 16

            def sweep(i, sc):
                off_l, off_h, sum_l = sc
                wb = bufa[pl.ds(i * 16, 16)]
                valid = (i * 16 + lane) < n
                m_lo = valid & (wb <= mid)
                m_hi = valid & (wb > mid)
                c_lo = jnp.max(plsc.all_reduce_population_count(m_lo))
                c_hi = jnp.max(plsc.all_reduce_population_count(m_hi))
                plsc.store_compressed(bufa.at[pl.ds(off_l, 16)], wb,
                                      mask=m_lo)
                plsc.store_compressed(bufb.at[pl.ds(off_h, 16)], wb,
                                      mask=m_hi)
                return (off_l + c_lo, off_h + c_hi,
                        sum_l + jnp.sum(jnp.where(
                            m_lo, lax.bitcast_convert_type(wb, jnp.float32),
                            0.0)))

            c_low, c_high, s_low = lax.fori_loop(
                0, nch, sweep, (jnp.int32(0), jnp.int32(0), jnp.float32(0.0)))
            keep_low = k_rem <= c_low

            @pl.when(jnp.logical_not(keep_low))
            def _copy_back():
                def cpy(i, _):
                    bufa[pl.ds(i * 16, 16)] = bufb[pl.ds(i * 16, 16)]
                    return 0
                lax.fori_loop(0, (c_high + 15) // 16, cpy, 0)

            return (jnp.where(keep_low, c_low, c_high),
                    jnp.where(keep_low, k_rem, k_rem - c_low),
                    jnp.where(keep_low, lo, mid + 1),
                    jnp.where(keep_low, mid, hi),
                    jnp.where(keep_low, bs, bs + s_low))

        kk = jnp.clip(k2, 0, IN3)
        n_f, k_f, lo_f, hi_f, bs_f = lax.while_loop(
            live, qpass, (jnp.int32(IN3), kk, lo0, hi0, jnp.float32(0.0)))

        wb = bufa[pl.ds(0, 16)]
        valid = lane < jnp.minimum(n_f, 16)
        sk, _, _ = plsc.sort_key_val(wb, wb, mask=valid)
        skf = jnp.where(valid, lax.bitcast_convert_type(sk, jnp.float32), 0.0)
        cs = plsc.cumsum(skf)
        sel = jnp.sum(jnp.where(lane == k_f - 1, cs, 0.0))
        tied = bs_f + k_f.astype(jnp.float32) * lax.bitcast_convert_type(
            lo_f, jnp.float32)
        fin = jnp.where(n_f > 16, tied, bs_f + sel)
        res = jnp.where(k2 >= IN3, tot_s, jnp.where(k2 <= 0, 0.0, fin))
        outv[...] = jnp.where(lane == 0, y1 * res, 0.0)

    @pl.when((cid == 1) & (sid < L))
    def _small():
        pltpu.sync_copy(colsq_hbm.at[sid], buf1k)
        pltpu.sync_copy(pi_hbm.at[sid], pi_v)
        pltpu.sync_copy(pf_hbm.at[sid], pf_v)
        kr = pi_v[pl.ds(0, 16)]
        pvec = pf_v[pl.ds(0, 16)]
        k1 = pi_v[pl.ds(16, 16)][0]
        y0 = pf_v[pl.ds(16, 16)][0]
        base = lane * HS

        @plsc.parallel_loop(0, HS, unroll=8, carry=(zeros_f, zeros_i, top_v))
        def _init(j, c):
            tv, mx, mn = c
            wb = plsc.load_gather(buf1k, [base + j])
            bufb[pl.ds(j * 16, 16)] = wb
            return (tv + lax.bitcast_convert_type(wb, jnp.float32),
                    jnp.maximum(mx, wb), jnp.minimum(mn, wb))

        tot, mxv, mnv = _init

        def unconverged(carry):
            lo, hi = carry
            return jnp.max(hi - lo) > 0

        def qpass(carry):
            lo, hi = carry
            mid = lo + lax.shift_right_logical(hi - lo, 1)

            @plsc.parallel_loop(0, HS, unroll=8, carry=zeros_i)
            def _cnt(j, cnt):
                wb = bufb[pl.ds(j * 16, 16)]
                return cnt + jnp.where(wb <= mid, 1, 0).astype(jnp.int32)

            ge = _cnt >= kr
            return jnp.where(ge, lo, mid + 1), jnp.where(ge, mid, hi)

        lo, _ = lax.while_loop(unconverged, qpass, (mnv, mxv))
        t = lax.bitcast_convert_type(lo, jnp.float32)

        @plsc.parallel_loop(0, HS, unroll=8, carry=(zeros_i, zeros_f))
        def _fin(j, c):
            clt, slt = c
            wb = bufb[pl.ds(j * 16, 16)]
            m = wb < lo
            return (clt + jnp.where(m, 1, 0).astype(jnp.int32),
                    slt + jnp.where(
                        m, lax.bitcast_convert_type(wb, jnp.float32), 0.0))

        cltv, sltv = _fin
        res = jnp.where(
            kr >= HS, tot,
            jnp.where(kr <= 0, 0.0,
                      sltv + (kr - cltv).astype(jnp.float32) * t))
        rres = jnp.sum(pvec * res)
        sk, _ = plsc.sort_key_val(tot, tot)
        a_val = jnp.sum(jnp.where(lane < k1, sk, 0.0))
        outv[...] = jnp.where(lane == 0, y0 * a_val + rres, 0.0)

    pltpu.sync_copy(outv, out_hbm.at[wid])


def _sc_select(colsq, sc3, pi, pf):
    mesh = plsc.VectorSubcoreMesh(core_axis_name="c", subcore_axis_name="s")
    run = functools.partial(
        pl.kernel,
        mesh=mesh,
        compiler_params=pltpu.CompilerParams(needs_layout_passes=False),
        out_type=jax.ShapeDtypeStruct((32, 16), jnp.float32),
        scratch_types=[
            pltpu.VMEM((IN3 + 16,), jnp.int32),
            pltpu.VMEM((IN3 + 16,), jnp.int32),
            pltpu.VMEM((IN1,), jnp.int32),
            pltpu.VMEM((32,), jnp.int32),
            pltpu.VMEM((32,), jnp.float32),
            pltpu.VMEM((16,), jnp.float32),
        ],
    )(_sc_body)
    return run(colsq, sc3, pi, pf)


def kernel(W1, W3, s, r, y, p):
    colsq3, sc33 = _tc_reduce(W1, W3)
    colsq = lax.bitcast_convert_type(colsq3.reshape(L, IN1), jnp.int32)
    sc3 = lax.bitcast_convert_type(sc33.reshape(L, IN3), jnp.int32)
    k1 = jnp.ceil(s[:, 0]).astype(jnp.int32)
    k2 = jnp.ceil(s[:, 1]).astype(jnp.int32)
    kr = jnp.ceil(r).astype(jnp.int32)
    pi = jnp.concatenate(
        [kr, k1[:, None], k2[:, None], jnp.zeros((L, 14), jnp.int32)], axis=1)
    pf = jnp.concatenate([p, y, jnp.zeros((L, 14), jnp.float32)], axis=1)
    parts = _sc_select(colsq, sc3, pi, pf)
    return jnp.sum(parts)

# --- scband reference (transcript-rebuilt; emitter-appended) ---
"""Pipeline reference for scband-uvc-cp-mini-max-21131239097204 (READ-ONLY COPY).

The authoritative reference and input builder live on the scoring server;
editing this copy changes nothing except your own understanding.
"""

import jax, jax.numpy as jnp
import numpy as np

NUM_HEADS = 16


def ste_ceil(x):
    # SteCeil: ceil in fwd, identity grad in bwd
    return x + jax.lax.stop_gradient(jnp.ceil(x) - x)


def least_s_sum_val(s, w):
    # LeastSsum.forward: idx = ceil(s)+1; if idx <= n: sum of the ceil(s)
    # smallest entries of w; else sum(w).
    n = w.shape[0]
    k = jnp.ceil(s).astype(jnp.int32)
    sw = jnp.sort(w)
    kk = jnp.clip(k, 0, n)
    mask = jnp.arange(n) < kk
    sum_k = jnp.sum(jnp.where(mask, sw, 0.0))
    return jnp.where(k + 1 <= n, sum_k, jnp.sum(w))


def setup_inputs(seed: int = 0) -> dict:
    key = jax.random.key(seed)
    ks = jax.random.split(key, 6)
    W1 = jax.random.normal(ks[0], (12, 1024, 1024), dtype=jnp.float32) * 0.02
    W3 = jax.random.normal(ks[1], (12, 1024, 4096), dtype=jnp.float32) * 0.02
    # s[:,0] in [0, num_heads), s[:,1] in [0, W3.in_features)
    s = jax.random.uniform(ks[2], (12, 2), dtype=jnp.float32) * jnp.array([16.0, 4096.0], dtype=jnp.float32)
    # r in [0, head_size)
    r = jax.random.uniform(ks[3], (12, 16), dtype=jnp.float32) * 64.0
    y = jax.random.uniform(ks[4], (12, 2), dtype=jnp.float32) * 0.001
    p = jax.random.uniform(ks[5], (12, 16), dtype=jnp.float32) * 0.001
    return {"W1": W1, "W3": W3, "s": s, "r": r, "y": y, "p": p}


def reference(W1, W3, s, r, y, p):
    L, out1, in1 = W1.shape
    H = NUM_HEADS
    hs = in1 // H
    s_c = ste_ceil(s)
    r_c = ste_ceil(r)
    # weight_list_to_scores('W1'): per-column squared-norms, grouped per head
    W1d = jax.lax.stop_gradient(W1)  # .data in torch
    col_sq = jnp.sum(W1d ** 2, axis=1)            # [L, H*hs]
    level1 = col_sq.reshape(L, H, hs)             # per (head, col) score
    level2 = jnp.sum(level1, axis=-1)             # per head score [L, H]
    # weight_list_to_scores('W3'): per-input-column squared norms
    W3d = jax.lax.stop_gradient(W3)
    scores3 = jnp.sum(W3d ** 2, axis=1)           # [L, in3]
    lss_v = jax.vmap(least_s_sum_val)
    # sloss1
    w_s_norm1 = lss_v(s_c[:, 0], level2)          # [L]
    w_s_norm2 = lss_v(s_c[:, 1], scores3)         # [L]
    result1 = jnp.dot(jax.lax.stop_gradient(y[:, 0]), w_s_norm1)
    result2 = jnp.dot(jax.lax.stop_gradient(y[:, 1]), w_s_norm2)
    # rloss1
    lss_vv = jax.vmap(jax.vmap(least_s_sum_val))
    w_r = lss_vv(r_c, level1)                     # [L, H]
    rres = jnp.sum(jax.lax.stop_gradient(p) * w_r)
    return result1 + result2 + rres

if __name__ == "__main__":
    import jax
    _d = setup_inputs()
    print(jax.jit(kernel)(*tuple(_d.values())))

</pallas_src>

<mosaic_0001>
#map = affine_map<(d0, d1) -> (0, 0)>
module attributes {stable_mosaic.version = 14 : i64} {
  func.func @_sc_body(%arg0: i32, %arg1: i32, %arg2: memref<12x1024xi32, #tpu.memory_space<hbm>>, %arg3: memref<12x4096xi32, #tpu.memory_space<hbm>>, %arg4: memref<12x32xi32, #tpu.memory_space<hbm>>, %arg5: memref<12x32xf32, #tpu.memory_space<hbm>>, %arg6: memref<32x16xf32, #tpu.memory_space<hbm>>, %arg7: memref<4112xi32, #tpu.memory_space<vmem>>, %arg8: memref<4112xi32, #tpu.memory_space<vmem>>, %arg9: memref<1024xi32, #tpu.memory_space<vmem>>, %arg10: memref<32xi32, #tpu.memory_space<vmem>>, %arg11: memref<32xf32, #tpu.memory_space<vmem>>, %arg12: memref<16xf32, #tpu.memory_space<vmem>>) attributes {dimension_semantics = [#tpu.dimension_semantics<core_parallel>, #tpu.dimension_semantics<subcore_parallel>], iteration_bounds = array<i64: 2, 16>, scalar_prefetch = 0 : i64, scratch_operands = 6 : i64, tpu.core_type = #tpu.core_type<sc_vector_subcore>, window_params = [{transform_indices = #map}, {transform_indices = #map}, {transform_indices = #map}, {transform_indices = #map}, {transform_indices = #map}]} {
    %mul3A = arith.constant 16 : i32
    %mul3A_0 = arith.muli %arg0, %mul3A : i32
    %add3A = arith.addi %mul3A_0, %arg1 : i32
    %iota3A = tpu.iota {dimensions = array<i32: 0>} : vector<16xi32>
    %broadcast_in_dim3A = arith.constant 0.000000e+00 : f32
    %broadcast_in_dim3A_1 = vector.broadcast %broadcast_in_dim3A : f32 to vector<16xf32>
    %broadcast_in_dim3A_2 = arith.constant 0 : i32
    %broadcast_in_dim3A_3 = vector.broadcast %broadcast_in_dim3A_2 : i32 to vector<16xi32>
    %broadcast_in_dim3A_4 = arith.constant 2147483647 : i32
    %broadcast_in_dim3A_5 = vector.broadcast %broadcast_in_dim3A_4 : i32 to vector<16xi32>
    %swap3A = arith.constant 0 : index
    %swap3A_6 = tpu.vector_load %arg12[%swap3A] {strides = array<i32>} : memref<16xf32, #tpu.memory_space<vmem>>, vector<16xf32>,
    tpu.vector_store %arg12[%swap3A], %broadcast_in_dim3A_1 {strides = array<i32>} : memref<16xf32, #tpu.memory_space<vmem>>, vector<16xf32>,
    %eq3A = arith.constant 0 : i32
    %eq3A_7 = arith.cmpi eq, %arg0, %eq3A : i32
    %lt3A = arith.constant 12 : i32
    %lt3A_8 = arith.cmpi slt, %arg1, %lt3A : i32
    %and3A = arith.andi %eq3A_7, %lt3A_8 : i1
    %convert_element_type3A = arith.extui %and3A : i1 to i32
    %cond3A = arith.constant 0 : i32
    %cond3A_9 = arith.cmpi ne, %convert_element_type3A, %cond3A : i32
    scf.if %cond3A_9 {
      "tpu.region"() ({
        %run_scoped3A = tpu.sem_alloc : memref<!tpu.dma_semaphore, #tpu.memory_space<semaphore_mem>>
        %dma_start3A = arith.constant 0 : i32
        %dma_start3A_96 = tpu.memref_slice %arg7[%dma_start3A] : memref<4112xi32, #tpu.memory_space<vmem>> -> memref<4096xi32, #tpu.memory_space<vmem>>
        %dma_start3A_97 = arith.constant 0 : i32
        %dma_start3A_98 = tpu.memref_slice %arg3[%arg1, %dma_start3A_97] : memref<12x4096xi32, #tpu.memory_space<hbm>> -> memref<1x4096xi32, #tpu.memory_space<hbm>>
        %dma_start3A_99 = tpu.memref_squeeze %dma_start3A_98 : memref<1x4096xi32, #tpu.memory_space<hbm>> -> memref<4096xi32, #tpu.memory_space<hbm>>
        %dma_start3A_100 = arith.constant 0 : i32
        %dma_start3A_101 = tpu.memref_slice %arg7[%dma_start3A_100] : memref<4112xi32, #tpu.memory_space<vmem>> -> memref<4096xi32, #tpu.memory_space<vmem>>
        %dma_start3A_102 = arith.constant 0 : i32
        %dma_start3A_103 = tpu.memref_slice %arg3[%arg1, %dma_start3A_102] : memref<12x4096xi32, #tpu.memory_space<hbm>> -> memref<1x4096xi32, #tpu.memory_space<hbm>>
        %dma_start3A_104 = tpu.memref_squeeze %dma_start3A_103 : memref<1x4096xi32, #tpu.memory_space<hbm>> -> memref<4096xi32, #tpu.memory_space<hbm>>
        tpu.enqueue_dma source(%dma_start3A_104 : memref<4096xi32, #tpu.memory_space<hbm>>) target(%dma_start3A_101 : memref<4096xi32, #tpu.memory_space<vmem>>) target_semaphore(%run_scoped3A : memref<!tpu.dma_semaphore, #tpu.memory_space<semaphore_mem>>)
        %dma_wait3A = arith.constant 0 : i32
        %dma_wait3A_105 = tpu.memref_slice %arg7[%dma_wait3A] : memref<4112xi32, #tpu.memory_space<vmem>> -> memref<4096xi32, #tpu.memory_space<vmem>>
        %dma_wait3A_106 = arith.constant 0 : i32
        %dma_wait3A_107 = tpu.memref_slice %arg3[%arg1, %dma_wait3A_106] : memref<12x4096xi32, #tpu.memory_space<hbm>> -> memref<1x4096xi32, #tpu.memory_space<hbm>>
        %dma_wait3A_108 = tpu.memref_squeeze %dma_wait3A_107 : memref<1x4096xi32, #tpu.memory_space<hbm>> -> memref<4096xi32, #tpu.memory_space<hbm>>
        %dma_wait3A_109 = arith.constant 0 : i32
        %dma_wait3A_110 = tpu.memref_slice %arg7[%dma_wait3A_109] : memref<4112xi32, #tpu.memory_space<vmem>> -> memref<4096xi32, #tpu.memory_space<vmem>>
        %dma_wait3A_111 = arith.constant 0 : i32
        %dma_wait3A_112 = tpu.memref_slice %arg3[%arg1, %dma_wait3A_111] : memref<12x4096xi32, #tpu.memory_space<hbm>> -> memref<1x4096xi32, #tpu.memory_space<hbm>>
        %dma_wait3A_113 = tpu.memref_squeeze %dma_wait3A_112 : memref<1x4096xi32, #tpu.memory_space<hbm>> -> memref<4096xi32, #tpu.memory_space<hbm>>
        tpu.wait_dma2 semaphore(%run_scoped3A : memref<!tpu.dma_semaphore, #tpu.memory_space<semaphore_mem>>) src(%dma_wait3A_113 : memref<4096xi32, #tpu.memory_space<hbm>>) dst(%dma_wait3A_110 : memref<4096xi32, #tpu.memory_space<vmem>>)
        tpu.yield
      }) : () -> ()
      "tpu.region"() ({
        %run_scoped3A = tpu.sem_alloc : memref<!tpu.dma_semaphore, #tpu.memory_space<semaphore_mem>>
        %dma_start3A = arith.constant 0 : i32
        %dma_start3A_96 = tpu.memref_slice %arg4[%arg1, %dma_start3A] : memref<12x32xi32, #tpu.memory_space<hbm>> -> memref<1x32xi32, #tpu.memory_space<hbm>>
        %dma_start3A_97 = tpu.memref_squeeze %dma_start3A_96 : memref<1x32xi32, #tpu.memory_space<hbm>> -> memref<32xi32, #tpu.memory_space<hbm>>
        %dma_start3A_98 = arith.constant 0 : i32
        %dma_start3A_99 = tpu.memref_slice %arg4[%arg1, %dma_start3A_98] : memref<12x32xi32, #tpu.memory_space<hbm>> -> memref<1x32xi32, #tpu.memory_space<hbm>>
        %dma_start3A_100 = tpu.memref_squeeze %dma_start3A_99 : memref<1x32xi32, #tpu.memory_space<hbm>> -> memref<32xi32, #tpu.memory_space<hbm>>
        tpu.enqueue_dma source(%dma_start3A_100 : memref<32xi32, #tpu.memory_space<hbm>>) target(%arg10 : memref<32xi32, #tpu.memory_space<vmem>>) target_semaphore(%run_scoped3A : memref<!tpu.dma_semaphore, #tpu.memory_space<semaphore_mem>>)
        %dma_wait3A = arith.constant 0 : i32
        %dma_wait3A_101 = tpu.memref_slice %arg4[%arg1, %dma_wait3A] : memref<12x32xi32, #tpu.memory_space<hbm>> -> memref<1x32xi32, #tpu.memory_space<hbm>>
        %dma_wait3A_102 = tpu.memref_squeeze %dma_wait3A_101 : memref<1x32xi32, #tpu.memory_space<hbm>> -> memref<32xi32, #tpu.memory_space<hbm>>
        %dma_wait3A_103 = arith.constant 0 : i32
        %dma_wait3A_104 = tpu.memref_slice %arg4[%arg1, %dma_wait3A_103] : memref<12x32xi32, #tpu.memory_space<hbm>> -> memref<1x32xi32, #tpu.memory_space<hbm>>
        %dma_wait3A_105 = tpu.memref_squeeze %dma_wait3A_104 : memref<1x32xi32, #tpu.memory_space<hbm>> -> memref<32xi32, #tpu.memory_space<hbm>>
        tpu.wait_dma2 semaphore(%run_scoped3A : memref<!tpu.dma_semaphore, #tpu.memory_space<semaphore_mem>>) src(%dma_wait3A_105 : memref<32xi32, #tpu.memory_space<hbm>>) dst(%arg10 : memref<32xi32, #tpu.memory_space<vmem>>)
        tpu.yield
      }) : () -> ()
      "tpu.region"() ({
        %run_scoped3A = tpu.sem_alloc : memref<!tpu.dma_semaphore, #tpu.memory_space<semaphore_mem>>
        %dma_start3A = arith.constant 0 : i32
        %dma_start3A_96 = tpu.memref_slice %arg5[%arg1, %dma_start3A] : memref<12x32xf32, #tpu.memory_space<hbm>> -> memref<1x32xf32, #tpu.memory_space<hbm>>
        %dma_start3A_97 = tpu.memref_squeeze %dma_start3A_96 : memref<1x32xf32, #tpu.memory_space<hbm>> -> memref<32xf32, #tpu.memory_space<hbm>>
        %dma_start3A_98 = arith.constant 0 : i32
        %dma_start3A_99 = tpu.memref_slice %arg5[%arg1, %dma_start3A_98] : memref<12x32xf32, #tpu.memory_space<hbm>> -> memref<1x32xf32, #tpu.memory_space<hbm>>
        %dma_start3A_100 = tpu.memref_squeeze %dma_start3A_99 : memref<1x32xf32, #tpu.memory_space<hbm>> -> memref<32xf32, #tpu.memory_space<hbm>>
        tpu.enqueue_dma source(%dma_start3A_100 : memref<32xf32, #tpu.memory_space<hbm>>) target(%arg11 : memref<32xf32, #tpu.memory_space<vmem>>) target_semaphore(%run_scoped3A : memref<!tpu.dma_semaphore, #tpu.memory_space<semaphore_mem>>)
        %dma_wait3A = arith.constant 0 : i32
        %dma_wait3A_101 = tpu.memref_slice %arg5[%arg1, %dma_wait3A] : memref<12x32xf32, #tpu.memory_space<hbm>> -> memref<1x32xf32, #tpu.memory_space<hbm>>
        %dma_wait3A_102 = tpu.memref_squeeze %dma_wait3A_101 : memref<1x32xf32, #tpu.memory_space<hbm>> -> memref<32xf32, #tpu.memory_space<hbm>>
        %dma_wait3A_103 = arith.constant 0 : i32
        %dma_wait3A_104 = tpu.memref_slice %arg5[%arg1, %dma_wait3A_103] : memref<12x32xf32, #tpu.memory_space<hbm>> -> memref<1x32xf32, #tpu.memory_space<hbm>>
        %dma_wait3A_105 = tpu.memref_squeeze %dma_wait3A_104 : memref<1x32xf32, #tpu.memory_space<hbm>> -> memref<32xf32, #tpu.memory_space<hbm>>
        tpu.wait_dma2 semaphore(%run_scoped3A : memref<!tpu.dma_semaphore, #tpu.memory_space<semaphore_mem>>) src(%dma_wait3A_105 : memref<32xf32, #tpu.memory_space<hbm>>) dst(%arg11 : memref<32xf32, #tpu.memory_space<vmem>>)
        tpu.yield
      }) : () -> ()
      %get3A = arith.constant 16 : index
      %get3A_18 = tpu.vector_load %arg10[%get3A] {strides = array<i32>} : memref<32xi32, #tpu.memory_space<vmem>>, vector<16xi32>,
      %slice3A = vector.extract_strided_slice %get3A_18 {offsets = [1], sizes = [1], strides = [1]} : vector<16xi32> to vector<1xi32>
      %squeeze3A = vector.extract %slice3A[0] : i32 from vector<1xi32>
      %get3A_19 = arith.constant 16 : index
      %get3A_20 = tpu.vector_load %arg11[%get3A_19] {strides = array<i32>} : memref<32xf32, #tpu.memory_space<vmem>>, vector<16xf32>,
      %slice3A_21 = vector.extract_strided_slice %get3A_20 {offsets = [1], sizes = [1], strides = [1]} : vector<16xf32> to vector<1xf32>
      %squeeze3A_22 = vector.extract %slice3A_21[0] : f32 from vector<1xf32>
      %broadcast_in_dim3A_23 = arith.constant 2147483647 : i32
      %broadcast_in_dim3A_24 = vector.broadcast %broadcast_in_dim3A_23 : i32 to vector<16xi32>
      %parallel_loop3A = arith.constant 0 : i32
      %parallel_loop3A_25 = arith.constant 256 : i32
      %parallel_loop3A_26 = arith.constant 1 : i32
      %parallel_loop3A_27:3 = scf.for %parallel_loop3A_96 = %parallel_loop3A to %parallel_loop3A_25 step %parallel_loop3A_26 iter_args(%parallel_loop3A_97 = %broadcast_in_dim3A_1, %parallel_loop3A_98 = %broadcast_in_dim3A_3, %parallel_loop3A_99 = %broadcast_in_dim3A_24) -> (vector<16xf32>, vector<16xi32>, vector<16xi32>)  : i32 {
        %parallel_loop3A_100 = arith.constant 16 : i32
        %parallel_loop3A_101 = arith.muli %parallel_loop3A_96, %parallel_loop3A_100 : i32
        %parallel_loop3A_102 = arith.index_cast %parallel_loop3A_101 : i32 to index
        %parallel_loop3A_103 = tpu.vector_load %arg7[%parallel_loop3A_102] {strides = array<i32>} : memref<4112xi32, #tpu.memory_space<vmem>>, vector<16xi32>,
        %parallel_loop3A_104 = tpu.bitcast %parallel_loop3A_103 : vector<16xi32> -> vector<16xf32>
        %parallel_loop3A_105 = arith.addf %parallel_loop3A_97, %parallel_loop3A_104 : vector<16xf32>
        %parallel_loop3A_106 = arith.maxsi %parallel_loop3A_98, %parallel_loop3A_103 : vector<16xi32>
        %parallel_loop3A_107 = arith.minsi %parallel_loop3A_99, %parallel_loop3A_103 : vector<16xi32>
        scf.yield %parallel_loop3A_105, %parallel_loop3A_106, %parallel_loop3A_107 : vector<16xf32>, vector<16xi32>, vector<16xi32>
      } {sc.loop_unroll_factor = 8 : i64, sc.parallel_access}
      %reduce_sum3A = arith.constant true
      %reduce_sum3A_28 = vector.broadcast %reduce_sum3A : i1 to vector<16xi1>
      %reduce_sum3A_29 = tpu.scan <sum>, %parallel_loop3A_27#0 masked %reduce_sum3A_28 : vector<16xf32>, vector<16xi1> -> vector<16xf32>
      %reduce_sum3A_30 = vector.extract %reduce_sum3A_29[15] : f32 from vector<16xf32>
      %reduce_min3A = arith.constant true
      %reduce_min3A_31 = vector.broadcast %reduce_min3A : i1 to vector<16xi1>
      %reduce_min3A_32 = arith.constant -2147483648 : i32
      %reduce_min3A_33 = vector.broadcast %reduce_min3A_32 : i32 to vector<16xi32>
      %reduce_min3A_34 = arith.xori %parallel_loop3A_27#2, %reduce_min3A_33 : vector<16xi32>
      %reduce_min3A_35 = tpu.scan <min>, %reduce_min3A_34 masked %reduce_min3A_31 : vector<16xi32>, vector<16xi1> -> vector<16xi32>
      %reduce_min3A_36 = arith.xori %reduce_min3A_35, %reduce_min3A_33 : vector<16xi32>
      %reduce_min3A_37 = vector.extract %reduce_min3A_36[15] : i32 from vector<16xi32>
      %reduce_max3A = arith.constant true
      %reduce_max3A_38 = vector.broadcast %reduce_max3A : i1 to vector<16xi1>
      %reduce_max3A_39 = arith.constant -2147483648 : i32
      %reduce_max3A_40 = vector.broadcast %reduce_max3A_39 : i32 to vector<16xi32>
      %reduce_max3A_41 = arith.xori %parallel_loop3A_27#1, %reduce_max3A_40 : vector<16xi32>
      %reduce_max3A_42 = tpu.scan <max>, %reduce_max3A_41 masked %reduce_max3A_38 : vector<16xi32>, vector<16xi1> -> vector<16xi32>
      %reduce_max3A_43 = arith.xori %reduce_max3A_42, %reduce_max3A_40 : vector<16xi32>
      %reduce_max3A_44 = vector.extract %reduce_max3A_43[15] : i32 from vector<16xi32>
      %jit3A = arith.constant 0 : i32
      %jit3A_45 = arith.constant 4096 : i32
      %max3A = arith.maxsi %jit3A, %squeeze3A : i32
      %min3A = arith.minsi %jit3A_45, %max3A : i32
      %while3A = arith.constant 4096 : i32
      %while3A_46 = arith.constant 0.000000e+00 : f32
      %while3A_47:5 = scf.while (%while3A_96 = %while3A, %while3A_97 = %min3A, %while3A_98 = %reduce_min3A_37, %while3A_99 = %reduce_max3A_44, %while3A_100 = %while3A_46) : (i32, i32, i32, i32, f32) -> (i32, i32, i32, i32, f32) {
        %gt3A_101 = arith.constant 16 : i32
        %gt3A_102 = arith.cmpi sgt, %while3A_96, %gt3A_101 : i32
        %lt3A_103 = arith.cmpi slt, %while3A_98, %while3A_99 : i32
        %and3A_104 = arith.andi %gt3A_102, %lt3A_103 : i1
        scf.condition(%and3A_104) %while3A_96, %while3A_97, %while3A_98, %while3A_99, %while3A_100 : i32, i32, i32, i32, f32
      } do {
      ^bb0(%while3A_96: i32, %while3A_97: i32, %while3A_98: i32, %while3A_99: i32, %while3A_100: f32):
        %sub3A_101 = arith.subi %while3A_99, %while3A_98 : i32
        %shift_right_logical3A = arith.constant 1 : i32
        %shift_right_logical3A_102 = arith.shrui %sub3A_101, %shift_right_logical3A : i32
        %add3A_103 = arith.addi %while3A_98, %shift_right_logical3A_102 : i32
        %add3A_104 = arith.constant 15 : i32
        %add3A_105 = arith.addi %while3A_96, %add3A_104 : i32
        %jit3A_106 = arith.constant 16 : i32
        %div3A = arith.divsi %add3A_105, %jit3A_106 : i32
        %sign3A = arith.constant 0 : i32
        %sign3A_107 = arith.cmpi sgt, %add3A_105, %sign3A : i32
        %sign3A_108 = arith.extui %sign3A_107 : i1 to i32
        %sign3A_109 = arith.constant 0 : i32
        %sign3A_110 = arith.cmpi slt, %add3A_105, %sign3A_109 : i32
        %sign3A_111 = arith.extui %sign3A_110 : i1 to i32
        %sign3A_112 = arith.subi %sign3A_108, %sign3A_111 : i32
        %sign3A_113 = arith.constant 0 : i32
        %sign3A_114 = arith.cmpi sgt, %jit3A_106, %sign3A_113 : i32
        %sign3A_115 = arith.extui %sign3A_114 : i1 to i32
        %sign3A_116 = arith.constant 0 : i32
        %sign3A_117 = arith.cmpi slt, %jit3A_106, %sign3A_116 : i32
        %sign3A_118 = arith.extui %sign3A_117 : i1 to i32
        %sign3A_119 = arith.subi %sign3A_115, %sign3A_118 : i32
        %ne3A = arith.cmpi ne, %sign3A_112, %sign3A_119 : i32
        %rem3A = arith.remsi %add3A_105, %jit3A_106 : i32
        %ne3A_120 = arith.constant 0 : i32
        %ne3A_121 = arith.cmpi ne, %rem3A, %ne3A_120 : i32
        %and3A_122 = arith.andi %ne3A, %ne3A_121 : i1
        %sub3A_123 = arith.constant 1 : i32
        %sub3A_124 = arith.subi %div3A, %sub3A_123 : i32
        %select_n3A_125 = arith.select %and3A_122, %sub3A_124, %div3A : i32
        %while3A_126 = arith.constant 0 : i32
        %while3A_127 = arith.constant 0 : i32
        %while3A_128 = arith.constant 0 : i32
        %while3A_129 = arith.constant 0.000000e+00 : f32
        %while3A_130 = arith.subi %select_n3A_125, %while3A_126 : i32
        %while3A_131 = arith.addi %while3A_126, %while3A_130 : i32
        %while3A_132 = arith.constant 1 : i32
        %while3A_133 = arith.divsi %while3A_130, %while3A_132 : i32
        %while3A_134 = arith.muli %while3A_133, %while3A_132 : i32
        %while3A_135 = arith.addi %while3A_126, %while3A_134 : i32
        %while3A_136 = arith.constant 1 : i32
        %while3A_137:3 = scf.for %while3A_154 = %while3A_126 to %while3A_135 step %while3A_136 iter_args(%while3A_155 = %while3A_127, %while3A_156 = %while3A_128, %while3A_157 = %while3A_129) -> (i32, i32, f32)  : i32 {
          %mul3A_158 = arith.constant 16 : i32
          %mul3A_159 = arith.muli %while3A_154, %mul3A_158 : i32
          %get3A_160 = arith.index_cast %mul3A_159 : i32 to index
          %get3A_161 = tpu.vector_load %arg7[%get3A_160] {strides = array<i32>} : memref<4112xi32, #tpu.memory_space<vmem>>, vector<16xi32>,
          %mul3A_162 = arith.constant 16 : i32
          %mul3A_163 = arith.muli %while3A_154, %mul3A_162 : i32
          %add3A_164 = vector.broadcast %mul3A_163 : i32 to vector<16xi32>
          %add3A_165 = arith.addi %add3A_164, %iota3A : vector<16xi32>
          %lt3A_166 = vector.broadcast %while3A_96 : i32 to vector<16xi32>
          %lt3A_167 = arith.cmpi slt, %add3A_165, %lt3A_166 : vector<16xi32>
          %le3A_168 = vector.broadcast %add3A_103 : i32 to vector<16xi32>
          %le3A_169 = arith.cmpi sle, %get3A_161, %le3A_168 : vector<16xi32>
          %and3A_170 = arith.andi %lt3A_167, %le3A_169 : vector<16xi1>
          %gt3A_171 = vector.broadcast %add3A_103 : i32 to vector<16xi32>
          %gt3A_172 = arith.cmpi sgt, %get3A_161, %gt3A_171 : vector<16xi32>
          %and3A_173 = arith.andi %lt3A_167, %gt3A_172 : vector<16xi1>
          %all_reduce_population_count3A = tpu.all_reduce %and3A_170 {dim = 0 : i64, kind = #tpu.reduction_kind<sum>} : vector<16xi1> -> vector<16xi32>
          %reduce_max3A_174 = arith.constant true
          %reduce_max3A_175 = vector.broadcast %reduce_max3A_174 : i1 to vector<16xi1>
          %reduce_max3A_176 = arith.constant -2147483648 : i32
          %reduce_max3A_177 = vector.broadcast %reduce_max3A_176 : i32 to vector<16xi32>
          %reduce_max3A_178 = arith.xori %all_reduce_population_count3A, %reduce_max3A_177 : vector<16xi32>
          %reduce_max3A_179 = tpu.scan <max>, %reduce_max3A_178 masked %reduce_max3A_175 : vector<16xi32>, vector<16xi1> -> vector<16xi32>
          %reduce_max3A_180 = arith.xori %reduce_max3A_179, %reduce_max3A_177 : vector<16xi32>
          %reduce_max3A_181 = vector.extract %reduce_max3A_180[15] : i32 from vector<16xi32>
          %all_reduce_population_count3A_182 = tpu.all_reduce %and3A_173 {dim = 0 : i64, kind = #tpu.reduction_kind<sum>} : vector<16xi1> -> vector<16xi32>
          %reduce_max3A_183 = arith.constant true
          %reduce_max3A_184 = vector.broadcast %reduce_max3A_183 : i1 to vector<16xi1>
          %reduce_max3A_185 = arith.constant -2147483648 : i32
          %reduce_max3A_186 = vector.broadcast %reduce_max3A_185 : i32 to vector<16xi32>
          %reduce_max3A_187 = arith.xori %all_reduce_population_count3A_182, %reduce_max3A_186 : vector<16xi32>
          %reduce_max3A_188 = tpu.scan <max>, %reduce_max3A_187 masked %reduce_max3A_184 : vector<16xi32>, vector<16xi1> -> vector<16xi32>
          %reduce_max3A_189 = arith.xori %reduce_max3A_188, %reduce_max3A_186 : vector<16xi32>
          %reduce_max3A_190 = vector.extract %reduce_max3A_189[15] : i32 from vector<16xi32>
          %swap3A_191 = arith.index_cast %while3A_155 : i32 to index
          %swap3A_192 = tpu.vector_load %arg7[%swap3A_191] masked %and3A_170 {strides = array<i32>} : memref<4112xi32, #tpu.memory_space<vmem>>, vector<16xi32>, vector<16xi1>
          tpu.vector_store %arg7[%swap3A_191], %get3A_161 masked %and3A_170 {strides = array<i32>} : memref<4112xi32, #tpu.memory_space<vmem>>, vector<16xi32>, vector<16xi1>
          %swap3A_193 = arith.index_cast %while3A_156 : i32 to index
          %swap3A_194 = tpu.vector_load %arg8[%swap3A_193] masked %and3A_173 {strides = array<i32>} : memref<4112xi32, #tpu.memory_space<vmem>>, vector<16xi32>, vector<16xi1>
          tpu.vector_store %arg8[%swap3A_193], %get3A_161 masked %and3A_173 {strides = array<i32>} : memref<4112xi32, #tpu.memory_space<vmem>>, vector<16xi32>, vector<16xi1>
          %add3A_195 = arith.addi %while3A_155, %reduce_max3A_181 : i32
          %add3A_196 = arith.addi %while3A_156, %reduce_max3A_190 : i32
          %bitcast_convert_type3A_197 = tpu.bitcast %get3A_161 : vector<16xi32> -> vector<16xf32>
          %jit3A_198 = arith.constant 0.000000e+00 : f32
          %broadcast_in_dim3A_199 = vector.broadcast %jit3A_198 : f32 to vector<16xf32>
          %select_n3A_200 = arith.select %and3A_170, %bitcast_convert_type3A_197, %broadcast_in_dim3A_199 : vector<16xi1>, vector<16xf32>
          %reduce_sum3A_201 = arith.constant true
          %reduce_sum3A_202 = vector.broadcast %reduce_sum3A_201 : i1 to vector<16xi1>
          %reduce_sum3A_203 = tpu.scan <sum>, %select_n3A_200 masked %reduce_sum3A_202 : vector<16xf32>, vector<16xi1> -> vector<16xf32>
          %reduce_sum3A_204 = vector.extract %reduce_sum3A_203[15] : f32 from vector<16xf32>
          %add3A_205 = arith.addf %while3A_157, %reduce_sum3A_204 : f32
          scf.yield %add3A_195, %add3A_196, %add3A_205 : i32, i32, f32
        }
        %while3A_138 = arith.constant 1 : i32
        %while3A_139:3 = scf.for %while3A_154 = %while3A_135 to %while3A_131 step %while3A_138 iter_args(%while3A_155 = %while3A_137#0, %while3A_156 = %while3A_137#1, %while3A_157 = %while3A_137#2) -> (i32, i32, f32)  : i32 {
          %mul3A_158 = arith.constant 16 : i32
          %mul3A_159 = arith.muli %while3A_154, %mul3A_158 : i32
          %get3A_160 = arith.index_cast %mul3A_159 : i32 to index
          %get3A_161 = tpu.vector_load %arg7[%get3A_160] {strides = array<i32>} : memref<4112xi32, #tpu.memory_space<vmem>>, vector<16xi32>,
          %mul3A_162 = arith.constant 16 : i32
          %mul3A_163 = arith.muli %while3A_154, %mul3A_162 : i32
          %add3A_164 = vector.broadcast %mul3A_163 : i32 to vector<16xi32>
          %add3A_165 = arith.addi %add3A_164, %iota3A : vector<16xi32>
          %lt3A_166 = vector.broadcast %while3A_96 : i32 to vector<16xi32>
          %lt3A_167 = arith.cmpi slt, %add3A_165, %lt3A_166 : vector<16xi32>
          %le3A_168 = vector.broadcast %add3A_103 : i32 to vector<16xi32>
          %le3A_169 = arith.cmpi sle, %get3A_161, %le3A_168 : vector<16xi32>
          %and3A_170 = arith.andi %lt3A_167, %le3A_169 : vector<16xi1>
          %gt3A_171 = vector.broadcast %add3A_103 : i32 to vector<16xi32>
          %gt3A_172 = arith.cmpi sgt, %get3A_161, %gt3A_171 : vector<16xi32>
          %and3A_173 = arith.andi %lt3A_167, %gt3A_172 : vector<16xi1>
          %all_reduce_population_count3A = tpu.all_reduce %and3A_170 {dim = 0 : i64, kind = #tpu.reduction_kind<sum>} : vector<16xi1> -> vector<16xi32>
          %reduce_max3A_174 = arith.constant true
          %reduce_max3A_175 = vector.broadcast %reduce_max3A_174 : i1 to vector<16xi1>
          %reduce_max3A_176 = arith.constant -2147483648 : i32
          %reduce_max3A_177 = vector.broadcast %reduce_max3A_176 : i32 to vector<16xi32>
          %reduce_max3A_178 = arith.xori %all_reduce_population_count3A, %reduce_max3A_177 : vector<16xi32>
          %reduce_max3A_179 = tpu.scan <max>, %reduce_max3A_178 masked %reduce_max3A_175 : vector<16xi32>, vector<16xi1> -> vector<16xi32>
          %reduce_max3A_180 = arith.xori %reduce_max3A_179, %reduce_max3A_177 : vector<16xi32>
          %reduce_max3A_181 = vector.extract %reduce_max3A_180[15] : i32 from vector<16xi32>
          %all_reduce_population_count3A_182 = tpu.all_reduce %and3A_173 {dim = 0 : i64, kind = #tpu.reduction_kind<sum>} : vector<16xi1> -> vector<16xi32>
          %reduce_max3A_183 = arith.constant true
          %reduce_max3A_184 = vector.broadcast %reduce_max3A_183 : i1 to vector<16xi1>
          %reduce_max3A_185 = arith.constant -2147483648 : i32
          %reduce_max3A_186 = vector.broadcast %reduce_max3A_185 : i32 to vector<16xi32>
          %reduce_max3A_187 = arith.xori %all_reduce_population_count3A_182, %reduce_max3A_186 : vector<16xi32>
          %reduce_max3A_188 = tpu.scan <max>, %reduce_max3A_187 masked %reduce_max3A_184 : vector<16xi32>, vector<16xi1> -> vector<16xi32>
          %reduce_max3A_189 = arith.xori %reduce_max3A_188, %reduce_max3A_186 : vector<16xi32>
          %reduce_max3A_190 = vector.extract %reduce_max3A_189[15] : i32 from vector<16xi32>
          %swap3A_191 = arith.index_cast %while3A_155 : i32 to index
          %swap3A_192 = tpu.vector_load %arg7[%swap3A_191] masked %and3A_170 {strides = array<i32>} : memref<4112xi32, #tpu.memory_space<vmem>>, vector<16xi32>, vector<16xi1>
          tpu.vector_store %arg7[%swap3A_191], %get3A_161 masked %and3A_170 {strides = array<i32>} : memref<4112xi32, #tpu.memory_space<vmem>>, vector<16xi32>, vector<16xi1>
          %swap3A_193 = arith.index_cast %while3A_156 : i32 to index
          %swap3A_194 = tpu.vector_load %arg8[%swap3A_193] masked %and3A_173 {strides = array<i32>} : memref<4112xi32, #tpu.memory_space<vmem>>, vector<16xi32>, vector<16xi1>
          tpu.vector_store %arg8[%swap3A_193], %get3A_161 masked %and3A_173 {strides = array<i32>} : memref<4112xi32, #tpu.memory_space<vmem>>, vector<16xi32>, vector<16xi1>
          %add3A_195 = arith.addi %while3A_155, %reduce_max3A_181 : i32
          %add3A_196 = arith.addi %while3A_156, %reduce_max3A_190 : i32
          %bitcast_convert_type3A_197 = tpu.bitcast %get3A_161 : vector<16xi32> -> vector<16xf32>
          %jit3A_198 = arith.constant 0.000000e+00 : f32
          %broadcast_in_dim3A_199 = vector.broadcast %jit3A_198 : f32 to vector<16xf32>
          %select_n3A_200 = arith.select %and3A_170, %bitcast_convert_type3A_197, %broadcast_in_dim3A_199 : vector<16xi1>, vector<16xf32>
          %reduce_sum3A_201 = arith.constant true
          %reduce_sum3A_202 = vector.broadcast %reduce_sum3A_201 : i1 to vector<16xi1>
          %reduce_sum3A_203 = tpu.scan <sum>, %select_n3A_200 masked %reduce_sum3A_202 : vector<16xf32>, vector<16xi1> -> vector<16xf32>
          %reduce_sum3A_204 = vector.extract %reduce_sum3A_203[15] : f32 from vector<16xf32>
          %add3A_205 = arith.addf %while3A_157, %reduce_sum3A_204 : f32
          scf.yield %add3A_195, %add3A_196, %add3A_205 : i32, i32, f32
        }
        %le3A_140 = arith.cmpi sle, %while3A_97, %while3A_139#0 : i32
        %not3A = arith.constant true
        %not3A_141 = arith.xori %le3A_140, %not3A : i1
        %convert_element_type3A_142 = arith.extui %not3A_141 : i1 to i32
        %cond3A_143 = arith.constant 0 : i32
        %cond3A_144 = arith.cmpi ne, %convert_element_type3A_142, %cond3A_143 : i32
        scf.if %cond3A_144 {
          %add3A_154 = arith.constant 15 : i32
          %add3A_155 = arith.addi %while3A_139#1, %add3A_154 : i32
          %jit3A_156 = arith.constant 16 : i32
          %div3A_157 = arith.divsi %add3A_155, %jit3A_156 : i32
          %sign3A_158 = arith.constant 0 : i32
          %sign3A_159 = arith.cmpi sgt, %add3A_155, %sign3A_158 : i32
          %sign3A_160 = arith.extui %sign3A_159 : i1 to i32
          %sign3A_161 = arith.constant 0 : i32
          %sign3A_162 = arith.cmpi slt, %add3A_155, %sign3A_161 : i32
          %sign3A_163 = arith.extui %sign3A_162 : i1 to i32
          %sign3A_164 = arith.subi %sign3A_160, %sign3A_163 : i32
          %sign3A_165 = arith.constant 0 : i32
          %sign3A_166 = arith.cmpi sgt, %jit3A_156, %sign3A_165 : i32
          %sign3A_167 = arith.extui %sign3A_166 : i1 to i32
          %sign3A_168 = arith.constant 0 : i32
          %sign3A_169 = arith.cmpi slt, %jit3A_156, %sign3A_168 : i32
          %sign3A_170 = arith.extui %sign3A_169 : i1 to i32
          %sign3A_171 = arith.subi %sign3A_167, %sign3A_170 : i32
          %ne3A_172 = arith.cmpi ne, %sign3A_164, %sign3A_171 : i32
          %rem3A_173 = arith.remsi %add3A_155, %jit3A_156 : i32
          %ne3A_174 = arith.constant 0 : i32
          %ne3A_175 = arith.cmpi ne, %rem3A_173, %ne3A_174 : i32
          %and3A_176 = arith.andi %ne3A_172, %ne3A_175 : i1
          %sub3A_177 = arith.constant 1 : i32
          %sub3A_178 = arith.subi %div3A_157, %sub3A_177 : i32
          %select_n3A_179 = arith.select %and3A_176, %sub3A_178, %div3A_157 : i32
          %while3A_180 = arith.constant 0 : i32
          %while3A_181 = arith.constant 0 : i32
          %while3A_182 = arith.subi %select_n3A_179, %while3A_180 : i32
          %while3A_183 = arith.addi %while3A_180, %while3A_182 : i32
          %while3A_184 = arith.constant 1 : i32
          %while3A_185 = arith.divsi %while3A_182, %while3A_184 : i32
          %while3A_186 = arith.muli %while3A_185, %while3A_184 : i32
          %while3A_187 = arith.addi %while3A_180, %while3A_186 : i32
          %while3A_188 = arith.constant 1 : i32
          %while3A_189 = scf.for %while3A_192 = %while3A_180 to %while3A_187 step %while3A_188 iter_args(%while3A_193 = %while3A_181) -> (i32)  : i32 {
            %mul3A_194 = arith.constant 16 : i32
            %mul3A_195 = arith.muli %while3A_192, %mul3A_194 : i32
            %get3A_196 = arith.index_cast %mul3A_195 : i32 to index
            %get3A_197 = tpu.vector_load %arg8[%get3A_196] {strides = array<i32>} : memref<4112xi32, #tpu.memory_space<vmem>>, vector<16xi32>,
            %mul3A_198 = arith.constant 16 : i32
            %mul3A_199 = arith.muli %while3A_192, %mul3A_198 : i32
            %swap3A_200 = arith.index_cast %mul3A_199 : i32 to index
            %swap3A_201 = tpu.vector_load %arg7[%swap3A_200] {strides = array<i32>} : memref<4112xi32, #tpu.memory_space<vmem>>, vector<16xi32>,
            tpu.vector_store %arg7[%swap3A_200], %get3A_197 {strides = array<i32>} : memref<4112xi32, #tpu.memory_space<vmem>>, vector<16xi32>,
            %while3A_202 = arith.constant 0 : i32
            scf.yield %while3A_202 : i32
          }
          %while3A_190 = arith.constant 1 : i32
          %while3A_191 = scf.for %while3A_192 = %while3A_187 to %while3A_183 step %while3A_190 iter_args(%while3A_193 = %while3A_189) -> (i32)  : i32 {
            %mul3A_194 = arith.constant 16 : i32
            %mul3A_195 = arith.muli %while3A_192, %mul3A_194 : i32
            %get3A_196 = arith.index_cast %mul3A_195 : i32 to index
            %get3A_197 = tpu.vector_load %arg8[%get3A_196] {strides = array<i32>} : memref<4112xi32, #tpu.memory_space<vmem>>, vector<16xi32>,
            %mul3A_198 = arith.constant 16 : i32
            %mul3A_199 = arith.muli %while3A_192, %mul3A_198 : i32
            %swap3A_200 = arith.index_cast %mul3A_199 : i32 to index
            %swap3A_201 = tpu.vector_load %arg7[%swap3A_200] {strides = array<i32>} : memref<4112xi32, #tpu.memory_space<vmem>>, vector<16xi32>,
            tpu.vector_store %arg7[%swap3A_200], %get3A_197 {strides = array<i32>} : memref<4112xi32, #tpu.memory_space<vmem>>, vector<16xi32>,
            %while3A_202 = arith.constant 0 : i32
            scf.yield %while3A_202 : i32
          }
        } else {
        }
        %select_n3A_145 = arith.select %le3A_140, %while3A_139#0, %while3A_139#1 : i32
        %sub3A_146 = arith.subi %while3A_97, %while3A_139#0 : i32
        %select_n3A_147 = arith.select %le3A_140, %while3A_97, %sub3A_146 : i32
        %add3A_148 = arith.constant 1 : i32
        %add3A_149 = arith.addi %add3A_103, %add3A_148 : i32
        %select_n3A_150 = arith.select %le3A_140, %while3A_98, %add3A_149 : i32
        %select_n3A_151 = arith.select %le3A_140, %add3A_103, %while3A_99 : i32
        %add3A_152 = arith.addf %while3A_100, %while3A_139#2 : f32
        %select_n3A_153 = arith.select %le3A_140, %while3A_100, %add3A_152 : f32
        scf.yield %select_n3A_145, %select_n3A_147, %select_n3A_150, %select_n3A_151, %select_n3A_153 : i32, i32, i32, i32, f32
      }
      %get3A_48 = arith.constant 0 : index
      %get3A_49 = tpu.vector_load %arg7[%get3A_48] {strides = array<i32>} : memref<4112xi32, #tpu.memory_space<vmem>>, vector<16xi32>,
      %min3A_50 = arith.constant 16 : i32
      %min3A_51 = arith.minsi %while3A_47#0, %min3A_50 : i32
      %lt3A_52 = vector.broadcast %min3A_51 : i32 to vector<16xi32>
      %lt3A_53 = arith.cmpi slt, %iota3A, %lt3A_52 : vector<16xi32>
      %masked_sort3A = arith.constant -2147483648 : i32
      %masked_sort3A_54 = vector.broadcast %masked_sort3A : i32 to vector<16xi32>
      %masked_sort3A_55 = arith.xori %get3A_49, %masked_sort3A_54 : vector<16xi32>
      %masked_sort3A_56, %masked_sort3A_57, %masked_sort3A_58 = tpu.sort %masked_sort3A_55, %get3A_49 masked %lt3A_53 : (vector<16xi32>, vector<16xi32>, vector<16xi1>) -> (vector<16xi1>, vector<16xi32>, vector<16xi32>)
      %masked_sort3A_59 = arith.xori %masked_sort3A_57, %masked_sort3A_54 : vector<16xi32>
      %bitcast_convert_type3A = tpu.bitcast %masked_sort3A_59 : vector<16xi32> -> vector<16xf32>
      %jit3A_60 = arith.constant 0.000000e+00 : f32
      %broadcast_in_dim3A_61 = vector.broadcast %jit3A_60 : f32 to vector<16xf32>
      %select_n3A = arith.select %lt3A_53, %bitcast_convert_type3A, %broadcast_in_dim3A_61 : vector<16xi1>, vector<16xf32>
      %broadcast_in_dim3A_62 = arith.constant true
      %broadcast_in_dim3A_63 = vector.broadcast %broadcast_in_dim3A_62 : i1 to vector<16xi1>
      %masked_cumsum3A = tpu.scan <sum>, %select_n3A masked %broadcast_in_dim3A_63 : vector<16xf32>, vector<16xi1> -> vector<16xf32>
      %sub3A = arith.constant 1 : i32
      %sub3A_64 = arith.subi %while3A_47#1, %sub3A : i32
      %eq3A_65 = vector.broadcast %sub3A_64 : i32 to vector<16xi32>
      %eq3A_66 = arith.cmpi eq, %iota3A, %eq3A_65 : vector<16xi32>
      %jit3A_67 = arith.constant 0.000000e+00 : f32
      %broadcast_in_dim3A_68 = vector.broadcast %jit3A_67 : f32 to vector<16xf32>
      %select_n3A_69 = arith.select %eq3A_66, %masked_cumsum3A, %broadcast_in_dim3A_68 : vector<16xi1>, vector<16xf32>
      %reduce_sum3A_70 = arith.constant true
      %reduce_sum3A_71 = vector.broadcast %reduce_sum3A_70 : i1 to vector<16xi1>
      %reduce_sum3A_72 = tpu.scan <sum>, %select_n3A_69 masked %reduce_sum3A_71 : vector<16xf32>, vector<16xi1> -> vector<16xf32>
      %reduce_sum3A_73 = vector.extract %reduce_sum3A_72[15] : f32 from vector<16xf32>
      %convert_element_type3A_74 = arith.sitofp %while3A_47#1 : i32 to f32
      %bitcast_convert_type3A_75 = arith.bitcast %while3A_47#2 : i32 to f32
      %mul3A_76 = arith.mulf %convert_element_type3A_74, %bitcast_convert_type3A_75 : f32
      %add3A_77 = arith.addf %while3A_47#4, %mul3A_76 : f32
      %gt3A = arith.constant 16 : i32
      %gt3A_78 = arith.cmpi sgt, %while3A_47#0, %gt3A : i32
      %add3A_79 = arith.addf %while3A_47#4, %reduce_sum3A_73 : f32
      %select_n3A_80 = arith.select %gt3A_78, %add3A_77, %add3A_79 : f32
      %ge3A = arith.constant 4096 : i32
      %ge3A_81 = arith.cmpi sge, %squeeze3A, %ge3A : i32
      %le3A = arith.constant 0 : i32
      %le3A_82 = arith.cmpi sle, %squeeze3A, %le3A : i32
      %jit3A_83 = arith.constant 0.000000e+00 : f32
      %select_n3A_84 = arith.select %le3A_82, %jit3A_83, %select_n3A_80 : f32
      %select_n3A_85 = arith.select %ge3A_81, %reduce_sum3A_30, %select_n3A_84 : f32
      %eq3A_86 = arith.constant 0 : i32
      %eq3A_87 = vector.broadcast %eq3A_86 : i32 to vector<16xi32>
      %eq3A_88 = arith.cmpi eq, %iota3A, %eq3A_87 : vector<16xi32>
      %mul3A_89 = arith.mulf %squeeze3A_22, %select_n3A_85 : f32
      %jit3A_90 = arith.constant 0.000000e+00 : f32
      %broadcast_in_dim3A_91 = vector.broadcast %mul3A_89 : f32 to vector<16xf32>
      %broadcast_in_dim3A_92 = vector.broadcast %jit3A_90 : f32 to vector<16xf32>
      %select_n3A_93 = arith.select %eq3A_88, %broadcast_in_dim3A_91, %broadcast_in_dim3A_92 : vector<16xi1>, vector<16xf32>
      %swap3A_94 = arith.constant 0 : index
      %swap3A_95 = tpu.vector_load %arg12[%swap3A_94] {strides = array<i32>} : memref<16xf32, #tpu.memory_space<vmem>>, vector<16xf32>,
      tpu.vector_store %arg12[%swap3A_94], %select_n3A_93 {strides = array<i32>} : memref<16xf32, #tpu.memory_space<vmem>>, vector<16xf32>,
    } else {
    }
    %eq3A_10 = arith.constant 1 : i32
    %eq3A_11 = arith.cmpi eq, %arg0, %eq3A_10 : i32
    %lt3A_12 = arith.constant 12 : i32
    %lt3A_13 = arith.cmpi slt, %arg1, %lt3A_12 : i32
    %and3A_14 = arith.andi %eq3A_11, %lt3A_13 : i1
    %convert_element_type3A_15 = arith.extui %and3A_14 : i1 to i32
    %cond3A_16 = arith.constant 0 : i32
    %cond3A_17 = arith.cmpi ne, %convert_element_type3A_15, %cond3A_16 : i32
    scf.if %cond3A_17 {
      "tpu.region"() ({
        %run_scoped3A = tpu.sem_alloc : memref<!tpu.dma_semaphore, #tpu.memory_space<semaphore_mem>>
        %dma_start3A = arith.constant 0 : i32
        %dma_start3A_73 = tpu.memref_slice %arg2[%arg1, %dma_start3A] : memref<12x1024xi32, #tpu.memory_space<hbm>> -> memref<1x1024xi32, #tpu.memory_space<hbm>>
        %dma_start3A_74 = tpu.memref_squeeze %dma_start3A_73 : memref<1x1024xi32, #tpu.memory_space<hbm>> -> memref<1024xi32, #tpu.memory_space<hbm>>
        %dma_start3A_75 = arith.constant 0 : i32
        %dma_start3A_76 = tpu.memref_slice %arg2[%arg1, %dma_start3A_75] : memref<12x1024xi32, #tpu.memory_space<hbm>> -> memref<1x1024xi32, #tpu.memory_space<hbm>>
        %dma_start3A_77 = tpu.memref_squeeze %dma_start3A_76 : memref<1x1024xi32, #tpu.memory_space<hbm>> -> memref<1024xi32, #tpu.memory_space<hbm>>
        tpu.enqueue_dma source(%dma_start3A_77 : memref<1024xi32, #tpu.memory_space<hbm>>) target(%arg9 : memref<1024xi32, #tpu.memory_space<vmem>>) target_semaphore(%run_scoped3A : memref<!tpu.dma_semaphore, #tpu.memory_space<semaphore_mem>>)
        %dma_wait3A = arith.constant 0 : i32
        %dma_wait3A_78 = tpu.memref_slice %arg2[%arg1, %dma_wait3A] : memref<12x1024xi32, #tpu.memory_space<hbm>> -> memref<1x1024xi32, #tpu.memory_space<hbm>>
        %dma_wait3A_79 = tpu.memref_squeeze %dma_wait3A_78 : memref<1x1024xi32, #tpu.memory_space<hbm>> -> memref<1024xi32, #tpu.memory_space<hbm>>
        %dma_wait3A_80 = arith.constant 0 : i32
        %dma_wait3A_81 = tpu.memref_slice %arg2[%arg1, %dma_wait3A_80] : memref<12x1024xi32, #tpu.memory_space<hbm>> -> memref<1x1024xi32, #tpu.memory_space<hbm>>
        %dma_wait3A_82 = tpu.memref_squeeze %dma_wait3A_81 : memref<1x1024xi32, #tpu.memory_space<hbm>> -> memref<1024xi32, #tpu.memory_space<hbm>>
        tpu.wait_dma2 semaphore(%run_scoped3A : memref<!tpu.dma_semaphore, #tpu.memory_space<semaphore_mem>>) src(%dma_wait3A_82 : memref<1024xi32, #tpu.memory_space<hbm>>) dst(%arg9 : memref<1024xi32, #tpu.memory_space<vmem>>)
        tpu.yield
      }) : () -> ()
      "tpu.region"() ({
        %run_scoped3A = tpu.sem_alloc : memref<!tpu.dma_semaphore, #tpu.memory_space<semaphore_mem>>
        %dma_start3A = arith.constant 0 : i32
        %dma_start3A_73 = tpu.memref_slice %arg4[%arg1, %dma_start3A] : memref<12x32xi32, #tpu.memory_space<hbm>> -> memref<1x32xi32, #tpu.memory_space<hbm>>
        %dma_start3A_74 = tpu.memref_squeeze %dma_start3A_73 : memref<1x32xi32, #tpu.memory_space<hbm>> -> memref<32xi32, #tpu.memory_space<hbm>>
        %dma_start3A_75 = arith.constant 0 : i32
        %dma_start3A_76 = tpu.memref_slice %arg4[%arg1, %dma_start3A_75] : memref<12x32xi32, #tpu.memory_space<hbm>> -> memref<1x32xi32, #tpu.memory_space<hbm>>
        %dma_start3A_77 = tpu.memref_squeeze %dma_start3A_76 : memref<1x32xi32, #tpu.memory_space<hbm>> -> memref<32xi32, #tpu.memory_space<hbm>>
        tpu.enqueue_dma source(%dma_start3A_77 : memref<32xi32, #tpu.memory_space<hbm>>) target(%arg10 : memref<32xi32, #tpu.memory_space<vmem>>) target_semaphore(%run_scoped3A : memref<!tpu.dma_semaphore, #tpu.memory_space<semaphore_mem>>)
        %dma_wait3A = arith.constant 0 : i32
        %dma_wait3A_78 = tpu.memref_slice %arg4[%arg1, %dma_wait3A] : memref<12x32xi32, #tpu.memory_space<hbm>> -> memref<1x32xi32, #tpu.memory_space<hbm>>
        %dma_wait3A_79 = tpu.memref_squeeze %dma_wait3A_78 : memref<1x32xi32, #tpu.memory_space<hbm>> -> memref<32xi32, #tpu.memory_space<hbm>>
        %dma_wait3A_80 = arith.constant 0 : i32
        %dma_wait3A_81 = tpu.memref_slice %arg4[%arg1, %dma_wait3A_80] : memref<12x32xi32, #tpu.memory_space<hbm>> -> memref<1x32xi32, #tpu.memory_space<hbm>>
        %dma_wait3A_82 = tpu.memref_squeeze %dma_wait3A_81 : memref<1x32xi32, #tpu.memory_space<hbm>> -> memref<32xi32, #tpu.memory_space<hbm>>
        tpu.wait_dma2 semaphore(%run_scoped3A : memref<!tpu.dma_semaphore, #tpu.memory_space<semaphore_mem>>) src(%dma_wait3A_82 : memref<32xi32, #tpu.memory_space<hbm>>) dst(%arg10 : memref<32xi32, #tpu.memory_space<vmem>>)
        tpu.yield
      }) : () -> ()
      "tpu.region"() ({
        %run_scoped3A = tpu.sem_alloc : memref<!tpu.dma_semaphore, #tpu.memory_space<semaphore_mem>>
        %dma_start3A = arith.constant 0 : i32
        %dma_start3A_73 = tpu.memref_slice %arg5[%arg1, %dma_start3A] : memref<12x32xf32, #tpu.memory_space<hbm>> -> memref<1x32xf32, #tpu.memory_space<hbm>>
        %dma_start3A_74 = tpu.memref_squeeze %dma_start3A_73 : memref<1x32xf32, #tpu.memory_space<hbm>> -> memref<32xf32, #tpu.memory_space<hbm>>
        %dma_start3A_75 = arith.constant 0 : i32
        %dma_start3A_76 = tpu.memref_slice %arg5[%arg1, %dma_start3A_75] : memref<12x32xf32, #tpu.memory_space<hbm>> -> memref<1x32xf32, #tpu.memory_space<hbm>>
        %dma_start3A_77 = tpu.memref_squeeze %dma_start3A_76 : memref<1x32xf32, #tpu.memory_space<hbm>> -> memref<32xf32, #tpu.memory_space<hbm>>
        tpu.enqueue_dma source(%dma_start3A_77 : memref<32xf32, #tpu.memory_space<hbm>>) target(%arg11 : memref<32xf32, #tpu.memory_space<vmem>>) target_semaphore(%run_scoped3A : memref<!tpu.dma_semaphore, #tpu.memory_space<semaphore_mem>>)
        %dma_wait3A = arith.constant 0 : i32
        %dma_wait3A_78 = tpu.memref_slice %arg5[%arg1, %dma_wait3A] : memref<12x32xf32, #tpu.memory_space<hbm>> -> memref<1x32xf32, #tpu.memory_space<hbm>>
        %dma_wait3A_79 = tpu.memref_squeeze %dma_wait3A_78 : memref<1x32xf32, #tpu.memory_space<hbm>> -> memref<32xf32, #tpu.memory_space<hbm>>
        %dma_wait3A_80 = arith.constant 0 : i32
        %dma_wait3A_81 = tpu.memref_slice %arg5[%arg1, %dma_wait3A_80] : memref<12x32xf32, #tpu.memory_space<hbm>> -> memref<1x32xf32, #tpu.memory_space<hbm>>
        %dma_wait3A_82 = tpu.memref_squeeze %dma_wait3A_81 : memref<1x32xf32, #tpu.memory_space<hbm>> -> memref<32xf32, #tpu.memory_space<hbm>>
        tpu.wait_dma2 semaphore(%run_scoped3A : memref<!tpu.dma_semaphore, #tpu.memory_space<semaphore_mem>>) src(%dma_wait3A_82 : memref<32xf32, #tpu.memory_space<hbm>>) dst(%arg11 : memref<32xf32, #tpu.memory_space<vmem>>)
        tpu.yield
      }) : () -> ()
      %get3A = arith.constant 0 : index
      %get3A_18 = tpu.vector_load %arg10[%get3A] {strides = array<i32>} : memref<32xi32, #tpu.memory_space<vmem>>, vector<16xi32>,
      %get3A_19 = arith.constant 0 : index
      %get3A_20 = tpu.vector_load %arg11[%get3A_19] {strides = array<i32>} : memref<32xf32, #tpu.memory_space<vmem>>, vector<16xf32>,
      %get3A_21 = arith.constant 16 : index
      %get3A_22 = tpu.vector_load %arg10[%get3A_21] {strides = array<i32>} : memref<32xi32, #tpu.memory_space<vmem>>, vector<16xi32>,
      %slice3A = vector.extract_strided_slice %get3A_22 {offsets = [0], sizes = [1], strides = [1]} : vector<16xi32> to vector<1xi32>
      %squeeze3A = vector.extract %slice3A[0] : i32 from vector<1xi32>
      %get3A_23 = arith.constant 16 : index
      %get3A_24 = tpu.vector_load %arg11[%get3A_23] {strides = array<i32>} : memref<32xf32, #tpu.memory_space<vmem>>, vector<16xf32>,
      %slice3A_25 = vector.extract_strided_slice %get3A_24 {offsets = [0], sizes = [1], strides = [1]} : vector<16xf32> to vector<1xf32>
      %squeeze3A_26 = vector.extract %slice3A_25[0] : f32 from vector<1xf32>
      %mul3A_27 = arith.constant 64 : i32
      %mul3A_28 = vector.broadcast %mul3A_27 : i32 to vector<16xi32>
      %mul3A_29 = arith.muli %iota3A, %mul3A_28 : vector<16xi32>
      %parallel_loop3A = arith.constant 0 : i32
      %parallel_loop3A_30 = arith.constant 64 : i32
      %parallel_loop3A_31 = arith.constant 1 : i32
      %parallel_loop3A_32:3 = scf.for %parallel_loop3A_73 = %parallel_loop3A to %parallel_loop3A_30 step %parallel_loop3A_31 iter_args(%parallel_loop3A_74 = %broadcast_in_dim3A_1, %parallel_loop3A_75 = %broadcast_in_dim3A_3, %parallel_loop3A_76 = %broadcast_in_dim3A_5) -> (vector<16xf32>, vector<16xi32>, vector<16xi32>)  : i32 {
        %parallel_loop3A_77 = vector.broadcast %parallel_loop3A_73 : i32 to vector<16xi32>
        %parallel_loop3A_78 = arith.addi %mul3A_29, %parallel_loop3A_77 : vector<16xi32>
        %parallel_loop3A_79 = tpu.vector_load_idx %arg9[%parallel_loop3A_78] : memref<1024xi32, #tpu.memory_space<vmem>>[vector<16xi32>], vector<16xi32>,
        %parallel_loop3A_80 = arith.constant 16 : i32
        %parallel_loop3A_81 = arith.muli %parallel_loop3A_73, %parallel_loop3A_80 : i32
        %parallel_loop3A_82 = arith.index_cast %parallel_loop3A_81 : i32 to index
        %parallel_loop3A_83 = tpu.vector_load %arg8[%parallel_loop3A_82] {strides = array<i32>} : memref<4112xi32, #tpu.memory_space<vmem>>, vector<16xi32>,
        tpu.vector_store %arg8[%parallel_loop3A_82], %parallel_loop3A_79 {strides = array<i32>} : memref<4112xi32, #tpu.memory_space<vmem>>, vector<16xi32>,
        %parallel_loop3A_84 = tpu.bitcast %parallel_loop3A_79 : vector<16xi32> -> vector<16xf32>
        %parallel_loop3A_85 = arith.addf %parallel_loop3A_74, %parallel_loop3A_84 : vector<16xf32>
        %parallel_loop3A_86 = arith.maxsi %parallel_loop3A_75, %parallel_loop3A_79 : vector<16xi32>
        %parallel_loop3A_87 = arith.minsi %parallel_loop3A_76, %parallel_loop3A_79 : vector<16xi32>
        scf.yield %parallel_loop3A_85, %parallel_loop3A_86, %parallel_loop3A_87 : vector<16xf32>, vector<16xi32>, vector<16xi32>
      } {sc.loop_unroll_factor = 8 : i64, sc.parallel_access}
      %while3A:2 = scf.while (%while3A_73 = %parallel_loop3A_32#2, %while3A_74 = %parallel_loop3A_32#1) : (vector<16xi32>, vector<16xi32>) -> (vector<16xi32>, vector<16xi32>) {
        %sub3A_75 = arith.subi %while3A_74, %while3A_73 : vector<16xi32>
        %reduce_max3A = arith.constant true
        %reduce_max3A_76 = vector.broadcast %reduce_max3A : i1 to vector<16xi1>
        %reduce_max3A_77 = arith.constant -2147483648 : i32
        %reduce_max3A_78 = vector.broadcast %reduce_max3A_77 : i32 to vector<16xi32>
        %reduce_max3A_79 = arith.xori %sub3A_75, %reduce_max3A_78 : vector<16xi32>
        %reduce_max3A_80 = tpu.scan <max>, %reduce_max3A_79 masked %reduce_max3A_76 : vector<16xi32>, vector<16xi1> -> vector<16xi32>
        %reduce_max3A_81 = arith.xori %reduce_max3A_80, %reduce_max3A_78 : vector<16xi32>
        %reduce_max3A_82 = vector.extract %reduce_max3A_81[15] : i32 from vector<16xi32>
        %gt3A = arith.constant 0 : i32
        %gt3A_83 = arith.cmpi sgt, %reduce_max3A_82, %gt3A : i32
        scf.condition(%gt3A_83) %while3A_73, %while3A_74 : vector<16xi32>, vector<16xi32>
      } do {
      ^bb0(%while3A_73: vector<16xi32>, %while3A_74: vector<16xi32>):
        %sub3A_75 = arith.subi %while3A_74, %while3A_73 : vector<16xi32>
        %shift_right_logical3A = arith.constant 1 : i32
        %shift_right_logical3A_76 = vector.broadcast %shift_right_logical3A : i32 to vector<16xi32>
        %shift_right_logical3A_77 = arith.shrui %sub3A_75, %shift_right_logical3A_76 : vector<16xi32>
        %add3A_78 = arith.addi %while3A_73, %shift_right_logical3A_77 : vector<16xi32>
        %parallel_loop3A_79 = arith.constant 0 : i32
        %parallel_loop3A_80 = arith.constant 64 : i32
        %parallel_loop3A_81 = arith.constant 1 : i32
        %parallel_loop3A_82 = scf.for %parallel_loop3A_89 = %parallel_loop3A_79 to %parallel_loop3A_80 step %parallel_loop3A_81 iter_args(%parallel_loop3A_90 = %broadcast_in_dim3A_3) -> (vector<16xi32>)  : i32 {
          %parallel_loop3A_91 = arith.constant 16 : i32
          %parallel_loop3A_92 = arith.muli %parallel_loop3A_89, %parallel_loop3A_91 : i32
          %parallel_loop3A_93 = arith.index_cast %parallel_loop3A_92 : i32 to index
          %parallel_loop3A_94 = tpu.vector_load %arg8[%parallel_loop3A_93] {strides = array<i32>} : memref<4112xi32, #tpu.memory_space<vmem>>, vector<16xi32>,
          %parallel_loop3A_95 = arith.cmpi sle, %parallel_loop3A_94, %add3A_78 : vector<16xi32>
          %parallel_loop3A_96 = arith.constant 1 : i32
          %parallel_loop3A_97 = arith.constant 0 : i32
          %parallel_loop3A_98 = vector.broadcast %parallel_loop3A_96 : i32 to vector<16xi32>
          %parallel_loop3A_99 = vector.broadcast %parallel_loop3A_97 : i32 to vector<16xi32>
          %parallel_loop3A_100 = arith.select %parallel_loop3A_95, %parallel_loop3A_98, %parallel_loop3A_99 : vector<16xi1>, vector<16xi32>
          %parallel_loop3A_101 = arith.addi %parallel_loop3A_90, %parallel_loop3A_100 : vector<16xi32>
          scf.yield %parallel_loop3A_101 : vector<16xi32>
        } {sc.loop_unroll_factor = 8 : i64, sc.parallel_access}
        %ge3A_83 = arith.cmpi sge, %parallel_loop3A_82, %get3A_18 : vector<16xi32>
        %add3A_84 = arith.constant 1 : i32
        %add3A_85 = vector.broadcast %add3A_84 : i32 to vector<16xi32>
        %add3A_86 = arith.addi %add3A_78, %add3A_85 : vector<16xi32>
        %select_n3A_87 = arith.select %ge3A_83, %while3A_73, %add3A_86 : vector<16xi1>, vector<16xi32>
        %select_n3A_88 = arith.select %ge3A_83, %add3A_78, %while3A_74 : vector<16xi1>, vector<16xi32>
        scf.yield %select_n3A_87, %select_n3A_88 : vector<16xi32>, vector<16xi32>
      }
      %bitcast_convert_type3A = tpu.bitcast %while3A#0 : vector<16xi32> -> vector<16xf32>
      %parallel_loop3A_33 = arith.constant 0 : i32
      %parallel_loop3A_34 = arith.constant 64 : i32
      %parallel_loop3A_35 = arith.constant 1 : i32
      %parallel_loop3A_36:2 = scf.for %parallel_loop3A_73 = %parallel_loop3A_33 to %parallel_loop3A_34 step %parallel_loop3A_35 iter_args(%parallel_loop3A_74 = %broadcast_in_dim3A_3, %parallel_loop3A_75 = %broadcast_in_dim3A_1) -> (vector<16xi32>, vector<16xf32>)  : i32 {
        %parallel_loop3A_76 = arith.constant 16 : i32
        %parallel_loop3A_77 = arith.muli %parallel_loop3A_73, %parallel_loop3A_76 : i32
        %parallel_loop3A_78 = arith.index_cast %parallel_loop3A_77 : i32 to index
        %parallel_loop3A_79 = tpu.vector_load %arg8[%parallel_loop3A_78] {strides = array<i32>} : memref<4112xi32, #tpu.memory_space<vmem>>, vector<16xi32>,
        %parallel_loop3A_80 = arith.cmpi slt, %parallel_loop3A_79, %while3A#0 : vector<16xi32>
        %parallel_loop3A_81 = arith.constant 1 : i32
        %parallel_loop3A_82 = arith.constant 0 : i32
        %parallel_loop3A_83 = vector.broadcast %parallel_loop3A_81 : i32 to vector<16xi32>
        %parallel_loop3A_84 = vector.broadcast %parallel_loop3A_82 : i32 to vector<16xi32>
        %parallel_loop3A_85 = arith.select %parallel_loop3A_80, %parallel_loop3A_83, %parallel_loop3A_84 : vector<16xi1>, vector<16xi32>
        %parallel_loop3A_86 = arith.addi %parallel_loop3A_74, %parallel_loop3A_85 : vector<16xi32>
        %parallel_loop3A_87 = tpu.bitcast %parallel_loop3A_79 : vector<16xi32> -> vector<16xf32>
        %parallel_loop3A_88 = arith.constant 0.000000e+00 : f32
        %parallel_loop3A_89 = vector.broadcast %parallel_loop3A_88 : f32 to vector<16xf32>
        %parallel_loop3A_90 = arith.select %parallel_loop3A_80, %parallel_loop3A_87, %parallel_loop3A_89 : vector<16xi1>, vector<16xf32>
        %parallel_loop3A_91 = arith.addf %parallel_loop3A_75, %parallel_loop3A_90 : vector<16xf32>
        scf.yield %parallel_loop3A_86, %parallel_loop3A_91 : vector<16xi32>, vector<16xf32>
      } {sc.loop_unroll_factor = 8 : i64, sc.parallel_access}
      %ge3A = arith.constant 64 : i32
      %ge3A_37 = vector.broadcast %ge3A : i32 to vector<16xi32>
      %ge3A_38 = arith.cmpi sge, %get3A_18, %ge3A_37 : vector<16xi32>
      %le3A = arith.constant 0 : i32
      %le3A_39 = vector.broadcast %le3A : i32 to vector<16xi32>
      %le3A_40 = arith.cmpi sle, %get3A_18, %le3A_39 : vector<16xi32>
      %sub3A = arith.subi %get3A_18, %parallel_loop3A_36#0 : vector<16xi32>
      %convert_element_type3A_41 = arith.sitofp %sub3A : vector<16xi32> to vector<16xf32>
      %mul3A_42 = arith.mulf %convert_element_type3A_41, %bitcast_convert_type3A : vector<16xf32>
      %add3A_43 = arith.addf %parallel_loop3A_36#1, %mul3A_42 : vector<16xf32>
      %jit3A = arith.constant 0.000000e+00 : f32
      %broadcast_in_dim3A_44 = vector.broadcast %jit3A : f32 to vector<16xf32>
      %select_n3A = arith.select %le3A_40, %broadcast_in_dim3A_44, %add3A_43 : vector<16xi1>, vector<16xf32>
      %select_n3A_45 = arith.select %ge3A_38, %parallel_loop3A_32#0, %select_n3A : vector<16xi1>, vector<16xf32>
      %mul3A_46 = arith.mulf %get3A_20, %select_n3A_45 : vector<16xf32>
      %reduce_sum3A = arith.constant true
      %reduce_sum3A_47 = vector.broadcast %reduce_sum3A : i1 to vector<16xi1>
      %reduce_sum3A_48 = tpu.scan <sum>, %mul3A_46 masked %reduce_sum3A_47 : vector<16xf32>, vector<16xi1> -> vector<16xf32>
      %reduce_sum3A_49 = vector.extract %reduce_sum3A_48[15] : f32 from vector<16xf32>
      %masked_sort3A = arith.constant dense<true> : vector<16xi1>
      %masked_sort3A_50, %masked_sort3A_51, %masked_sort3A_52 = tpu.sort %parallel_loop3A_32#0, %parallel_loop3A_32#0 masked %masked_sort3A : (vector<16xf32>, vector<16xf32>, vector<16xi1>) -> (vector<16xi1>, vector<16xf32>, vector<16xf32>)
      %lt3A_53 = vector.broadcast %squeeze3A : i32 to vector<16xi32>
      %lt3A_54 = arith.cmpi slt, %iota3A, %lt3A_53 : vector<16xi32>
      %jit3A_55 = arith.constant 0.000000e+00 : f32
      %broadcast_in_dim3A_56 = vector.broadcast %jit3A_55 : f32 to vector<16xf32>
      %select_n3A_57 = arith.select %lt3A_54, %masked_sort3A_51, %broadcast_in_dim3A_56 : vector<16xi1>, vector<16xf32>
      %reduce_sum3A_58 = arith.constant true
      %reduce_sum3A_59 = vector.broadcast %reduce_sum3A_58 : i1 to vector<16xi1>
      %reduce_sum3A_60 = tpu.scan <sum>, %select_n3A_57 masked %reduce_sum3A_59 : vector<16xf32>, vector<16xi1> -> vector<16xf32>
      %reduce_sum3A_61 = vector.extract %reduce_sum3A_60[15] : f32 from vector<16xf32>
      %eq3A_62 = arith.constant 0 : i32
      %eq3A_63 = vector.broadcast %eq3A_62 : i32 to vector<16xi32>
      %eq3A_64 = arith.cmpi eq, %iota3A, %eq3A_63 : vector<16xi32>
      %mul3A_65 = arith.mulf %squeeze3A_26, %reduce_sum3A_61 : f32
      %add3A_66 = arith.addf %mul3A_65, %reduce_sum3A_49 : f32
      %jit3A_67 = arith.constant 0.000000e+00 : f32
      %broadcast_in_dim3A_68 = vector.broadcast %add3A_66 : f32 to vector<16xf32>
      %broadcast_in_dim3A_69 = vector.broadcast %jit3A_67 : f32 to vector<16xf32>
      %select_n3A_70 = arith.select %eq3A_64, %broadcast_in_dim3A_68, %broadcast_in_dim3A_69 : vector<16xi1>, vector<16xf32>
      %swap3A_71 = arith.constant 0 : index
      %swap3A_72 = tpu.vector_load %arg12[%swap3A_71] {strides = array<i32>} : memref<16xf32, #tpu.memory_space<vmem>>, vector<16xf32>,
      tpu.vector_store %arg12[%swap3A_71], %select_n3A_70 {strides = array<i32>} : memref<16xf32, #tpu.memory_space<vmem>>, vector<16xf32>,
    } else {
    }
    "tpu.region"() ({
      %run_scoped3A = tpu.sem_alloc : memref<!tpu.dma_semaphore, #tpu.memory_space<semaphore_mem>>
      %dma_start3A = arith.constant 0 : i32
      %dma_start3A_18 = tpu.memref_slice %arg6[%add3A, %dma_start3A] : memref<32x16xf32, #tpu.memory_space<hbm>> -> memref<1x16xf32, #tpu.memory_space<hbm>>
      %dma_start3A_19 = tpu.memref_squeeze %dma_start3A_18 : memref<1x16xf32, #tpu.memory_space<hbm>> -> memref<16xf32, #tpu.memory_space<hbm>>
      %dma_start3A_20 = arith.constant 0 : i32
      %dma_start3A_21 = tpu.memref_slice %arg6[%add3A, %dma_start3A_20] : memref<32x16xf32, #tpu.memory_space<hbm>> -> memref<1x16xf32, #tpu.memory_space<hbm>>
      %dma_start3A_22 = tpu.memref_squeeze %dma_start3A_21 : memref<1x16xf32, #tpu.memory_space<hbm>> -> memref<16xf32, #tpu.memory_space<hbm>>
      tpu.enqueue_dma source(%arg12 : memref<16xf32, #tpu.memory_space<vmem>>) target(%dma_start3A_22 : memref<16xf32, #tpu.memory_space<hbm>>) target_semaphore(%run_scoped3A : memref<!tpu.dma_semaphore, #tpu.memory_space<semaphore_mem>>)
      %dma_wait3A = arith.constant 0 : i32
      %dma_wait3A_23 = tpu.memref_slice %arg6[%add3A, %dma_wait3A] : memref<32x16xf32, #tpu.memory_space<hbm>> -> memref<1x16xf32, #tpu.memory_space<hbm>>
      %dma_wait3A_24 = tpu.memref_squeeze %dma_wait3A_23 : memref<1x16xf32, #tpu.memory_space<hbm>> -> memref<16xf32, #tpu.memory_space<hbm>>
      %dma_wait3A_25 = arith.constant 0 : i32
      %dma_wait3A_26 = tpu.memref_slice %arg6[%add3A, %dma_wait3A_25] : memref<32x16xf32, #tpu.memory_space<hbm>> -> memref<1x16xf32, #tpu.memory_space<hbm>>
      %dma_wait3A_27 = tpu.memref_squeeze %dma_wait3A_26 : memref<1x16xf32, #tpu.memory_space<hbm>> -> memref<16xf32, #tpu.memory_space<hbm>>
      tpu.wait_dma2 semaphore(%run_scoped3A : memref<!tpu.dma_semaphore, #tpu.memory_space<semaphore_mem>>) src(%arg12 : memref<16xf32, #tpu.memory_space<vmem>>) dst(%dma_wait3A_27 : memref<16xf32, #tpu.memory_space<hbm>>)
      tpu.yield
    }) : () -> ()
    return
  }
}

module attributes {stable_mosaic.version = 14 : i64} {
  func.func @_sq_reduce_body(%arg0: i32, %arg1: i32, %arg2: memref<1x1024x256xf32, #tpu.memory_space<vmem>>, %arg3: memref<1x1024x1024xf32, #tpu.memory_space<vmem>>, %arg4: memref<1x1x256xf32, #tpu.memory_space<vmem>>, %arg5: memref<1x1x1024xf32, #tpu.memory_space<vmem>>) attributes {dimension_semantics = [#tpu.dimension_semantics<arbitrary>, #tpu.dimension_semantics<arbitrary>], iteration_bounds = array<i64: 12, 4>, scalar_prefetch = 0 : i64, scratch_operands = 0 : i64, tpu.core_type = #tpu.core_type<tc>, window_params = [{transform_indices = @transform_0, window_bounds = array<i64: 1, 1024, 256>}, {transform_indices = @transform_1, window_bounds = array<i64: 1, 1024, 1024>}, {transform_indices = @transform_2, window_bounds = array<i64: 1, 1, 256>}, {transform_indices = @transform_3, window_bounds = array<i64: 1, 1, 1024>}]} {
    %get3A = arith.constant 0 : index
    %get3A_0 = arith.constant 0 : index
    %get3A_1 = arith.constant 0 : index
    %get3A_2 = vector.load %arg2[%get3A, %get3A_0, %get3A_1] : memref<1x1024x256xf32, #tpu.memory_space<vmem>>, vector<1x1024x256xf32>
    %get3A_3 = vector.shape_cast %get3A_2 : vector<1x1024x256xf32> to vector<1024x256xf32>
    %mul3A = arith.mulf %get3A_3, %get3A_3 : vector<1024x256xf32>
    %reduce_sum3A = arith.constant dense<0.000000e+00> : vector<256xf32>
    %reduce_sum3A_4 = vector.multi_reduction <add>, %mul3A, %reduce_sum3A [0] : vector<1024x256xf32> to vector<256xf32>
    %swap3A = arith.constant 0 : index
    %swap3A_5 = arith.constant 0 : index
    %swap3A_6 = arith.constant 0 : index
    %swap3A_7 = vector.load %arg4[%swap3A, %swap3A_5, %swap3A_6] : memref<1x1x256xf32, #tpu.memory_space<vmem>>, vector<1x1x256xf32>
    %swap3A_8 = vector.shape_cast %swap3A_7 : vector<1x1x256xf32> to vector<256xf32>
    %swap3A_9 = vector.shape_cast %reduce_sum3A_4 : vector<256xf32> to vector<1x1x256xf32>
    tpu.vector_store %arg4[%swap3A, %swap3A_5, %swap3A_6], %swap3A_9 {strides = array<i32>} : memref<1x1x256xf32, #tpu.memory_space<vmem>>, vector<1x1x256xf32>,
    %get3A_10 = arith.constant 0 : index
    %get3A_11 = arith.constant 0 : index
    %get3A_12 = arith.constant 0 : index
    %get3A_13 = vector.load %arg3[%get3A_10, %get3A_11, %get3A_12] : memref<1x1024x1024xf32, #tpu.memory_space<vmem>>, vector<1x1024x1024xf32>
    %get3A_14 = vector.shape_cast %get3A_13 : vector<1x1024x1024xf32> to vector<1024x1024xf32>
    %mul3A_15 = arith.mulf %get3A_14, %get3A_14 : vector<1024x1024xf32>
    %reduce_sum3A_16 = arith.constant dense<0.000000e+00> : vector<1024xf32>
    %reduce_sum3A_17 = vector.multi_reduction <add>, %mul3A_15, %reduce_sum3A_16 [0] : vector<1024x1024xf32> to vector<1024xf32>
    %swap3A_18 = arith.constant 0 : index
    %swap3A_19 = arith.constant 0 : index
    %swap3A_20 = arith.constant 0 : index
    %swap3A_21 = vector.load %arg5[%swap3A_18, %swap3A_19, %swap3A_20] : memref<1x1x1024xf32, #tpu.memory_space<vmem>>, vector<1x1x1024xf32>
    %swap3A_22 = vector.shape_cast %swap3A_21 : vector<1x1x1024xf32> to vector<1024xf32>
    %swap3A_23 = vector.shape_cast %reduce_sum3A_17 : vector<1024xf32> to vector<1x1x1024xf32>
    tpu.vector_store %arg5[%swap3A_18, %swap3A_19, %swap3A_20], %swap3A_23 {strides = array<i32>} : memref<1x1x1024xf32, #tpu.memory_space<vmem>>, vector<1x1x1024xf32>,
    return
  }
  func.func @transform_0(%arg0: i32, %arg1: i32) -> (i32, i32, i32) {
    %c0_i32 = arith.constant 0 : i32
    %c0_i32_0 = arith.constant 0 : i32
    return %arg0, %c0_i32, %arg1 : i32, i32, i32
  }
  func.func @transform_1(%arg0: i32, %arg1: i32) -> (i32, i32, i32) {
    %c0_i32 = arith.constant 0 : i32
    %c0_i32_0 = arith.constant 0 : i32
    return %arg0, %c0_i32, %arg1 : i32, i32, i32
  }
  func.func @transform_2(%arg0: i32, %arg1: i32) -> (i32, i32, i32) {
    %c0_i32 = arith.constant 0 : i32
    %c0_i32_0 = arith.constant 0 : i32
    return %arg0, %c0_i32, %arg1 : i32, i32, i32
  }
  func.func @transform_3(%arg0: i32, %arg1: i32) -> (i32, i32, i32) {
    %c0_i32 = arith.constant 0 : i32
    %c0_i32_0 = arith.constant 0 : i32
    return %arg0, %c0_i32, %arg1 : i32, i32, i32
  }
}

</mosaic_0001>

<sc_bundles>
// kernel: kernel.4.cloned.1.call-start
scs
__scs_entry_jumppad:
0x0: {  	(pc) =	sbr.rel $0x88, $3  }
0x1: {  	(tag) =	ssettag $0x0;
	lr =	simm.s32 $0x1  }
0x2: {  	[smem:$0x3F9B] =	sst lr;
	_ =	strace $0xD0000000  }
0x3: {  	_ = 	snop  }
0x4: {  	_ = 	snop  }
0x5: {  	_ = 	snop  }
0x6: {  	_ = 	snop  }
0x7: {  	_ = 	snop  }
__scs_overlays_trampoline_lowered:
0x8: {  	[smem:$0x3FAA] =	sst s0  }
0x9: {  	[smem:$0x3FAB] =	sst s1  }
0xa: {  	[smem:$0x3FAC] =	sst s2  }
0xb: {  	[smem:$0x3FAD] =	sst s3  }
0xc: {  	[smem:$0x3FAE] =	sst s4  }
0xd: {  	[smem:$0x3FAF] =	sst s5  }
0xe: {  	[smem:$0x3FB0] =	sst s6  }
0xf: {  	[smem:$0x3FB1] =	sst s7  }
0x10: {  	[smem:$0x3FB2] =	sst s8  }
0x11: {  	[smem:$0x3FB3] =	sst s9;
	s0 =	simm.s32 @!p0 $0x0  }
0x12: {  	s1 =	sld [smem:$0x3F99];
	s0 =	simm.s32 @p0 $0x1  }
0x13: {  	[smem:$0x3FB4] =	sst s0;
	s0 =	simm.s32 @!p1 $0x0  }
0x14: {  	s2 =	sld [smem:$0x3F98];
	s0 =	simm.s32 @p1 $0x1  }
0x15: {  	[smem:$0x3FB5] =	sst s0;
	s0 =	simm.s32 @!p2 $0x0  }
0x16: {  	s3 =	sld [smem:$0x3FDB];
	s0 =	simm.s32 @p2 $0x1  }
0x17: {  	s4 =	simm.s32 $0x1BF5;
	[smem:$0x3FB7] =	sst s0  }
0x18: {  	s0 =	sld [smem:$0x3F9A];
	_ =	swait.ge [sflag:s4], $0x0  }
0x19: {  	s7 =	sld [smem:$0x3F9B]  }
0x1a: {  	s8 =	sadd.s32 $0xFFFFE003, lr  }
0x1b: {  	s9 =	sadd.s32 $0xFFFFFEF7, lr;
	s5 =	simm.s32 $0xFFFFFFFF;
	p2 =	slt.u32 s8, $0xFFFFF086  }
0x1c: {  	p1 =	slt.u32 s9, $0xF7A;
	s5 =	simm.s32 @!p2 $0x0  }
0x1d: {  	s5 =	simm.s32 @p1 $0x1;
	p0 =	seq.s32 s7, s2  }
0x1e: {  	s7 =	smul.u32 @!p0 $0xF7A, s2;
	p2 =	seq.s32 @!p0 s5, $0x0  }
0x1f: {  	s9 =	smul.u32 $0xF7A, s1;
	s8 =	simm.s32 @!p0 $0x1BF5;
	p2 =	por !p2, p0  }
0x20: {  	[sflag:s8] =	ssyncset.s32 @!p0 $0xFFFFF086;
	s6 =	sadd.s32 @!p0 s3, s7;
	s7 =	simm.s32 @!p0 $0x108  }
0x21: {  	s3 =	sadd.s32 s3, s9;
	s6 =	sadd.s32 @!p0 $0x88, s6;
	s7 =	simm.s32 @p2 $0x1082  }
0x22: {  	[simem:s7], [sflag:s8] =	dma.local @!p0 [hbm:s6], $0xF7A  }
0x23: {  	s9 =	sor.u32 $0xD0000000, s2;
	s6 =	simm.s32 $0x108;
	_ =	swait.ge @!p0 [sflag:s8], $0x0  }
0x24: {  	s3 =	sadd.s32 $0x88, s3;
	s6 =	simm.s32 @!p1 $0x1082;
	[sflag:s4] =	ssyncset.s32 $0xFFFFF086  }
0x25: {  	[simem:s6], [sflag:s4] =	dma.local [hbm:s3], $0xF7A  }
0x26: {  	[smem:$0x3F9B] =	sst s1;
	(tag) =	ssettag s2;
	_ =	strace s9  }
0x27: {  	s1 =	sld [smem:$0x3FAB]  }
0x28: {  	s2 =	sld [smem:$0x3FAC]  }
0x29: {  	s4 =	sld [smem:$0x3FAE]  }
0x2a: {  	p0 =	seq.s32 s5, $0x0;
	s5 =	sld [smem:$0x3FAF]  }
0x2b: {  	s6 =	sld [smem:$0x3FB0]  }
0x2c: {  	s7 =	sld [smem:$0x3FB1]  }
0x2d: {  	s3 =	simm.s32 $0x108;
	s8 =	sld [smem:$0x3FB2]  }
0x2e: {  	s3 =	simm.s32 @!p0 $0x1082;
	s9 =	sld [smem:$0x3FB3]  }
0x2f: {  	lr =	sadd.s32 s0, s3;
	s0 =	sld [smem:$0x3FAA]  }
0x30: {  	s3 =	sld [smem:$0x3FAD]  }
0x31: {  	[smem:$0x3FB6] =	sst s10  }
0x32: {  	s10 =	sld [smem:$0x3FB4];
	_ =	sdelay $0x3  }
0x33: {  	p0 =	seq.s32 s10, $0x1;
	s10 =	sld [smem:$0x3FB6];
	_ =	sdelay $0x3  }
0x34: {  	[smem:$0x3FB6] =	sst s10  }
0x35: {  	s10 =	sld [smem:$0x3FB5];
	_ =	sdelay $0x3  }
0x36: {  	p1 =	seq.s32 s10, $0x1;
	s10 =	sld [smem:$0x3FB6];
	_ =	sdelay $0x3  }
0x37: {  	[smem:$0x3FB6] =	sst s10  }
0x38: {  	s10 =	sld [smem:$0x3FB7]  }
0x39: {  	_ = 	snop;
	(pc) =	sbr.ind lr, $3  }
0x3a: {  	_ = 	snop  }
0x3b: {  	_ = 	snop  }
0x3c: {  	p2 =	seq.s32 s10, $0x1;
	s10 =	sld [smem:$0x3FB6]  }
0x3d: {  	_ =	shalt  }
0x3e: {  	_ =	shalt  }
0x3f: {  	_ =	shalt  }
0x40: {  	_ =	shalt  }
0x41: {  	_ =	shalt  }
0x42: {  	_ =	shalt  }
0x43: {  	_ =	shalt  }
0x44: {  	_ =	shalt  }
0x45: {  	_ =	shalt  }
0x46: {  	_ =	shalt  }
0x47: {  	_ =	shalt  }
0x48: {  	_ =	shalt  }
0x49: {  	_ =	shalt  }
0x4a: {  	_ =	shalt  }
0x4b: {  	_ =	shalt  }
0x4c: {  	_ =	shalt  }
0x4d: {  	_ =	shalt  }
0x4e: {  	_ =	shalt  }
0x4f: {  	_ =	shalt  }
0x50: {  	_ =	shalt  }
0x51: {  	_ =	shalt  }
0x52: {  	_ =	shalt  }
0x53: {  	_ =	shalt  }
0x54: {  	_ =	shalt  }
0x55: {  	_ =	shalt  }
0x56: {  	_ =	shalt  }
0x57: {  	_ =	shalt  }
0x58: {  	_ =	shalt  }
0x59: {  	_ =	shalt  }
0x5a: {  	_ =	shalt  }
0x5b: {  	_ =	shalt  }
0x5c: {  	_ =	shalt  }
0x5d: {  	_ =	shalt  }
0x5e: {  	_ =	shalt  }
0x5f: {  	_ =	shalt  }
0x60: {  	_ =	shalt  }
0x61: {  	_ =	shalt  }
0x62: {  	_ =	shalt  }
0x63: {  	_ =	shalt  }
0x64: {  	_ =	shalt  }
0x65: {  	_ =	shalt  }
0x66: {  	_ =	shalt  }
0x67: {  	_ =	shalt  }
0x68: {  	_ =	shalt  }
0x69: {  	_ =	shalt  }
0x6a: {  	_ =	shalt  }
0x6b: {  	_ =	shalt  }
0x6c: {  	_ =	shalt  }
0x6d: {  	_ =	shalt  }
0x6e: {  	_ =	shalt  }
0x6f: {  	_ =	shalt  }
0x70: {  	_ =	shalt  }
0x71: {  	_ =	shalt  }
0x72: {  	_ =	shalt  }
0x73: {  	_ =	shalt  }
0x74: {  	_ =	shalt  }
0x75: {  	_ =	shalt  }
0x76: {  	_ =	shalt  }
0x77: {  	_ =	shalt  }
0x78: {  	_ =	shalt  }
0x79: {  	_ =	shalt  }
0x7a: {  	_ =	shalt  }
0x7b: {  	_ =	shalt  }
0x7c: {  	_ =	shalt  }
0x7d: {  	_ =	shalt  }
0x7e: {  	_ =	shalt  }
0x7f: {  	_ =	shalt  }
0x80: {  	_ =	shalt  }
0x81: {  	_ =	shalt  }
0x82: {  	_ =	shalt  }
0x83: {  	_ =	shalt  }
0x84: {  	_ =	shalt  }
0x85: {  	_ =	shalt  }
0x86: {  	_ =	shalt  }
0x87: {  	_ =	shalt  }
.Lfunc_end0:
.L_simem_size_0:
called_computation_lowered:
.L_overlay_start_0:
0x88: {  	s2 =	sld [smem:$0x3FD9]  }
0x89: {  	s3 =	sld [smem:$0x3FFE];
	_ =	sdelay $0x1  }
0x8a: {  	s1 =	srdreg.scid  }
0x8b: {  	s0 =	sand.u32 $0x1, s1  }
0x8c: {  	s16 =	sshll.u32 s0, $0xA;
	s2 =	sadd.s32 s3, s2  }
0x8d: {  	s2 =	sadd.s32 s2, s16  }
0x8e: {  	[smem:$0x3FC2] =	sst s2  }
0x8f: {  	_ = 	snop  }
0x90: {  	(tm) =	ssettm $0x1  }
0x91: {  	s17 =	sld [smem:$0x3FFB];
	_ =	sdelay $0x3  }
0x92: {  	_ =	strace s17  }
0x93: {  	s2 =	sld [smem:$0x3FFC];
	_ =	sdelay $0x3  }
0x94: {  	_ =	strace s2  }
0x95: {  	s2 =	sld [smem:$0x3FFD];
	_ =	sdelay $0x3  }
0x96: {  	_ =	strace s2  }
0x97: {  	_ =	strace $0x8FFFFFFF  }
0x98: {  	s18 =	sld [smem:$0x3FDB];
	_ =	sdelay $0x1  }
0x99: {  	s19 =	simm.s32 $_scs_section_size  }
0x9a: {  	s4 =	simm.s32 $_size__tile_overlayer_lowered;
	s5 =	simm.s32 $_tile_overlayer_lowered  }
0x9b: {  	s22 =	simm.s32 $0x1BFF;
	s21 =	sshll.u32 s5, $0x1;
	s2 =	sadd.s32 s19, s18  }
0x9c: {  	s6 =	simm.s32 $0x0;
	s20 =	sshll.u32 s4, $0x1;
	s4 =	sadd.s32 s21, s2  }
0x9d: {  	[timem:s6], [sflag:s22] =	dma.local [hbm:s4], s20  }
0x9e: {  	_ =	swait.ge [sflag:s22], s20  }
0x9f: {  	s3 =	ssub.s32 $0x0, s20;
	[sflag:s22] =	ssyncset.done $0x0  }
0xa0: {  	[sflag:s22] =	ssyncadd.s32 s3;
	_ =	sdelay $0x1  }
0xa1: {  	s23 =	simm.s32 $0x1B8B  }
0xa2: {  	_ =	swait.ge [sflag:s23], $0x1  }
0xa3: {  	[sflag:s23] =	ssyncset.done $0x0  }
0xa4: {  	s25 =	simm.s32 $0x1B8E;
	s24 =	sld [smem:$0x3FFE];
	[sflag:s23] =	ssyncadd.s32 $0xFFFFFFFF  }
0xa5: {  	s26 =	simm.s32 $execute0_lowered;
	[smem:$0x3FD2] =	sst s25  }
0xa6: {  	s4 =	sshll.u32 s26, $0x1;
	_ =	strace $0x80000046;
	[dreg:$0x1] =	wrdreg $0xFFFFFFFF  }
0xa7: {  	s28 =	simm.s32 $_size_execute0_lowered;
	s2 =	sadd.s32 s2, s4;
	[dreg:$0x0] =	wrdreg $0x0  }
0xa8: {  	s4 =	sshll.u32 s28, $0x1;
	[dreg:$0x2] =	wrdreg s2  }
0xa9: {  	[dreg:$0x3] =	wrdreg s4  }
0xaa: {  	[dreg:$0x4] =	wrdreg $0xC0  }
0xab: {  	_ =	task [dreg:s6], $0x5FFFF  }
0xac: {  	[dreg:$0x1] =	wrdreg $0xFFFFFFFF  }
0xad: {  	[dreg:$0x0] =	wrdreg $0x60  }
0xae: {  	[dreg:$0x2] =	wrdreg s24  }
0xaf: {  	[dreg:$0x3] =	wrdreg $0x9  }
0xb0: {  	_ =	task.clear_ibuf [dreg:s6], $0x4FFFF;
	_ =	strace $0x90000046  }
0xb1: {  	s29 =	simm.s32 $0x9;
	_ =	strace $0x80000048  }
0xb2: {  	_ =	swait.ge [sflag:s29], $0x1  }
0xb3: {  	[sflag:s29] =	ssyncadd.s32 $0xFFFFFFFF  }
0xb4: {  	_ =	strace $0x90000048  }
0xb5: {  	_ =	sfence  }
0xb6: {  	s30 =	sld [smem:$0x0];
	_ =	sdelay $0x2  }
0xb7: {  	s31 =	sshll.u32 s1, $0xD;
	s1 =	sshrl.u32 s1, $0x2  }
0xb8: {  	s3 =	sand.u32 $0x4000, s31;
	s1 =	sadd.s32 s1, s30  }
0xb9: {  	s0 =	sor.u32 s3, s0;
	s1 =	sshll.u32 s1, $0x11  }
0xba: {  	s0 =	sor.u32 s1, s0  }
0xbb: {  	s0 =	sadd.s32 $0x8F2B, s0  }
0xbc: {  	[sflag:s0] =	ssyncadd.remote.s32 $0x1  }
0xbd: {  	_ =	sfence.sel $0xFFFF  }
0xbe: {  	[dreg:$0x0] =	wrdreg $0xFFFFFFFF;
	(pc) =	sbr.abs _section_cstart, $3  }
0xbf: {  	[dreg:$0x1] =	wrdreg $0xFFFFFFFF  }
0xc0: {  	_ =	task.clear_ibuf [dreg:s6], $0x2FFFF;
	_ =	strace $0x9FFFFFFF  }
0xc1: {  	(tm) =	ssettm $0x7FFFFFFF  }
tec
execute0_lowered:
.L_overlay_start_1:
0x0: {  	(tag) =	ssettag $0x1  }
0x1: {  	s0 =	rddreg [dreg:$0x0];
	s8 =	stileid.u32;
	s2 =	simm.s32 $0x0  }
0x2: {  	s28 =	srdreg.scid;
	s9 =	simm.s32 $0x80;
	s10 =	simm.s32 $0x400  }
0x3: {  	s11 =	simm.s32 $0x1;
	s12 =	simm.s32 $0x2500;
	s13 =	simm.s32 $0x2580  }
0x4: {  	s14 =	simm.s32 $0x2100;
	s15 =	simm.s32 $0x2600;
	s16 =	simm.s32 $0x0  }
0x5: {  	s1 =	sshrl.u32 s8, $0x3;
	s3 =	sshll.u32 s8, $0x7;
	[smem:$0x7FF] =	sst s2  }
0x6: {  	s29 =	sshll.u32 s8, $0x4;
	s7 =	sand.u32 $0x1, s28;
	p1 =	slt.u32 s8, $0xC  }
0x7: {  	s3 =	sand.u32 $0x380, s3;
	s4 =	sshll.u32 s1, $0xD;
	_ =	strace $0x80000047  }
0x8: {  	s5 =	sshll.u32 s1, $0xF;
	s1 =	sshll.u32 s1, $0xA;
	p0 =	seq.s32 s7, $0x0  }
0x9: {  	p2 =	seq.s32 s7, $0x1;
	s4 =	sor.u32 s3, s4;
	s5 =	sor.u32 s3, s5  }
0xa: {  	s1 =	sor.u32 s3, s1;
	p0 =	por !p0, !p1;
	p1 =	por !p1, !p2  }
0xb: {  	s4 =	sshrl.u32 s4, $0x3;
	s25 =	sshrl.u32 s5, $0x3;
	s1 =	sshrl.u32 s1, $0x3  }
0xc: {  	p0 =	por !p0, !p0;
	p1 =	por !p1, !p1;
	s6 =	sadd.s32 s4, s0  }
.Ltmp0:
0xd: {  	s26 =	sadd.s32 s25, s0;
	s1 =	sadd.s32 s1, s0;
	(pc) =	sbr.rel .LBB2_1-.Ltmp0, $4  }
0xe: {  	s4 =	ssub.s32 $0x2, s7;
	s0 =	sadd.s32 s29, s0;
	s7 =	sshll.u32 s7, $0x8  }
0xf: {  	v1 =	vlaneseq.u32;
	s30 =	sshrl.u32 s4, $0x1;
	s3 =	sadd.s32 $0x800, s26;
	s5 =	sadd.s32 $0x3000, s1  }
0x10: {  	v2 =	vmul.u32 $0x40, v1;
	s0 =	sadd.s32 s7, s0;
	s6 =	sadd.s32 $0x2800, s6;
	s31 =	ssub.s32 s4, s30  }
0x11: {  	v0 =	vimm.f32 $0.0e+00;
	vm0 =	vcmask $0x300;
	v3 =	vimm.s32 $0x0;
	s4 =	sadd.s32 $0x3200, s1;
	s7 =	sadd.s32 $0x3400, s0;
	s8 =	smax.u32 s31, $0x1  }
.LBB2_31:
0x12: {  	s16 =	sadd.s32 $0x1, s16  }
0x13: {  	p2 =	sne.s32 s16, s8  }
.Ltmp1:
0x14: {  	_ = 	snop;
	(pc) =	sbr.rel @!p2 .LBB2_32-.Ltmp1, $4  }
0x15: {  	[hbm4b:s7+s2] =	stream.linear.scatter [tilespmem:s15], [sflag:$0x1], $0x80, $0x38;
	[tilespmem:$0x2680] =	vst v63  }
0x16: {  	_ =	swait.ge [sflag:s11], $0x80  }
0x17: {  	[sflag:s11] =	ssyncset.done $0x0  }
0x18: {  	[sflag:s11] =	ssyncadd.s32 $0xFFFFFF80  }
.LBB2_1:
.Ltmp2:
0x19: {  	(pc) =	sbr.rel @!p0 .LBB2_21-.Ltmp2, $2  }
0x1a: {  	_ =	sdelay $0x2  }
0x1b: {  	[tilespmem:$0x2600] =	vst v0  }
0x1c: {  	[tilespmem:s2], [sflag:$0x1] =	stream.strided.gather [hbm4b:s3+s9], $0x1000, s10, s9, $0x38;
	[tilespmem:$0x2680] =	vst v63  }
0x1d: {  	_ =	swait.ge [sflag:s11], $0x1000  }
0x1e: {  	[sflag:s11] =	ssyncset.done $0x0  }
0x1f: {  	[sflag:s11] =	ssyncadd.s32 $0xFFFFF000  }
0x20: {  	[tilespmem:s12], [sflag:$0x1] =	stream.linear.gather [hbm4b:s4+s2], $0x80, $0x38;
	[tilespmem:$0x2680] =	vst v63  }
0x21: {  	_ =	swait.ge [sflag:s11], $0x80  }
0x22: {  	[sflag:s11] =	ssyncset.done $0x0  }
0x23: {  	[sflag:s11] =	ssyncadd.s32 $0xFFFFFF80  }
0x24: {  	[tilespmem:s13], [sflag:$0x1] =	stream.linear.gather [hbm4b:s5+s2], $0x80, $0x38;
	[tilespmem:$0x2680] =	vst v63  }
0x25: {  	_ =	swait.ge [sflag:s11], $0x80  }
0x26: {  	[sflag:s11] =	ssyncset.done $0x0  }
0x27: {  	s0 =	simm.s32 $0x40;
	[sflag:s11] =	ssyncadd.s32 $0xFFFFFF80  }
0x28: {  	v4 =	vld [tilespmem:s0+$0xFFFFFFC0];
	_ =	sdelay $0x1  }
0x29: {  	v5 =	vld [tilespmem:s0+$0xFFFFFFD0];
	_ =	sdelay $0x1  }
0x2a: {  	v6 =	vimm.s32 $0x0;
	v7 =	vimm.s32 $0x7FFFFFFF;
	v8 =	vld [tilespmem:s0+$0xFFFFFFE0]  }
0x2b: {  	v9 =	vimm.f32 $0.0e+00;
	vm1 =	vgt.s32 v6, v4;
	vm2 =	vlt.s32 v7, v4  }
0x2c: {  	v10 =	vld [tilespmem:s0+$0xFFFFFFF0];
	v6 =	vsel vm1, v6, v4;
	v7 =	vsel vm2, v7, v4;
	v4 =	vadd.f32 v4, v9  }
0x2d: {  	vm1 =	vgt.s32 v6, v5;
	vm2 =	vlt.s32 v7, v5  }
0x2e: {  	v11 =	vld [tilespmem:s0+$0x0];
	v6 =	vsel vm1, v6, v5;
	v7 =	vsel vm2, v7, v5;
	v4 =	vadd.f32 v5, v4  }
0x2f: {  	vm1 =	vgt.s32 v6, v8;
	vm2 =	vlt.s32 v7, v8  }
0x30: {  	v5 =	vsel vm1, v6, v8;
	v7 =	vsel vm2, v7, v8;
	v6 =	vld [tilespmem:s0+$0x10];
	v8 =	vadd.f32 v8, v4  }
0x31: {  	vm1 =	vgt.s32 v5, v10;
	vm2 =	vlt.s32 v7, v10  }
0x32: {  	v9 =	vsel vm1, v5, v10;
	v12 =	vsel vm2, v7, v10;
	v8 =	vadd.f32 v10, v8;
	v7 =	vld [tilespmem:s0+$0x20]  }
0x33: {  	v4 =	vld [tilespmem:$0x2510];
	vm1 =	vgt.s32 v9, v11;
	vm2 =	vlt.s32 v12, v11  }
0x34: {  	v9 =	vsel vm1, v9, v11;
	v10 =	vsel vm2, v12, v11;
	v11 =	vadd.f32 v11, v8;
	v8 =	vld [tilespmem:s0+$0x30]  }
0x35: {  	s17 =	simm.s32 $0x0;
	s18 =	simm.s32 $0xC0;
	v5 =	vld [tilespmem:$0x2590];
	vm1 =	vgt.s32 v9, v6;
	vm2 =	vlt.s32 v10, v6  }
.LBB2_3:
0x36: {  	v12 =	vld [tilespmem:s18+$0xFFFFFFC0];
	s17 =	sadd.s32 $0x8, s17;
	v11 =	vadd.f32 v6, v11;
	v9 =	vsel vm1, v9, v6;
	v6 =	vsel vm2, v10, v6  }
0x37: {  	p2 =	slt.u32 s17, $0xF8;
	vm1 =	vgt.s32 v9, v7;
	vm2 =	vlt.s32 v6, v7  }
0x38: {  	v10 =	vld [tilespmem:s18+$0xFFFFFFD0];
	v11 =	vadd.f32 v7, v11;
	v9 =	vsel vm1, v9, v7;
	v6 =	vsel vm2, v6, v7  }
0x39: {  	vm1 =	vgt.s32 v9, v8;
	vm2 =	vlt.s32 v6, v8  }
0x3a: {  	v7 =	vld [tilespmem:s18+$0xFFFFFFE0];
	v11 =	vadd.f32 v8, v11;
	v9 =	vsel vm1, v9, v8;
	v6 =	vsel vm2, v6, v8  }
0x3b: {  	vm1 =	vgt.s32 v9, v12;
	vm2 =	vlt.s32 v6, v12  }
0x3c: {  	v8 =	vadd.f32 v12, v11;
	v9 =	vsel vm1, v9, v12;
	v6 =	vsel vm2, v6, v12;
	v11 =	vld [tilespmem:s18+$0xFFFFFFF0]  }
0x3d: {  	vm1 =	vgt.s32 v9, v10;
	vm2 =	vlt.s32 v6, v10  }
0x3e: {  	v8 =	vadd.f32 v10, v8;
	v9 =	vsel vm1, v9, v10;
	v6 =	vsel vm2, v6, v10;
	v10 =	vld [tilespmem:s18+$0x0]  }
0x3f: {  	vm1 =	vgt.s32 v9, v7;
	vm2 =	vlt.s32 v6, v7  }
0x40: {  	v8 =	vadd.f32 v7, v8;
	v9 =	vsel vm1, v9, v7;
	v7 =	vsel vm2, v6, v7;
	v6 =	vld [tilespmem:s18+$0x10]  }
.Ltmp3:
0x41: {  	vm1 =	vgt.s32 v9, v11;
	vm2 =	vlt.s32 v7, v11;
	(pc) =	sbr.rel @p2 .LBB2_3-.Ltmp3, $4  }
0x42: {  	v8 =	vadd.f32 v11, v8;
	v9 =	vsel vm1, v9, v11;
	v12 =	vsel vm2, v7, v11;
	v7 =	vld [tilespmem:s18+$0x20]  }
0x43: {  	vm1 =	vgt.s32 v9, v10;
	vm2 =	vlt.s32 v12, v10  }
0x44: {  	v11 =	vadd.f32 v10, v8;
	v9 =	vsel vm1, v9, v10;
	v10 =	vsel vm2, v12, v10;
	v8 =	vld [tilespmem:s18+$0x30]  }
0x45: {  	s18 =	sadd.s32 $0x80, s18;
	vm1 =	vgt.s32 v9, v6;
	vm2 =	vlt.s32 v10, v6  }
0x46: {  	v11 =	vadd.f32 v6, v11;
	_ =	sdelay $0x1  }
0x47: {  	v11 =	vadd.f32 v7, v11;
	_ =	sdelay $0x1  }
0x48: {  	v11 =	vadd.f32 v8, v11  }
0x49: {  	v10 =	vsel vm2, v10, v6  }
0x4a: {  	v61 =	vsel vm1, v9, v6;
	vm1 =	vlt.s32 v10, v7;
	(xrf2) =	vadd.scan.msk.f32 $0xffff, v11  }
0x4b: {  	vm2 =	vgt.s32 v61, v7;
	v62 =	vsel vm1, v10, v7  }
0x4c: {  	v6 =	vsel vm2, v61, v7;
	vm1 =	vlt.s32 v62, v8  }
0x4d: {  	vm2 =	vgt.s32 v6, v8;
	v63 =	vsel vm1, v62, v8  }
0x4e: {  	v6 =	vsel vm2, v6, v8;
	v7 =	vxor.u32 $0x80000000, v63  }
0x4f: {  	v6 =	vxor.u32 $0x80000000, v6;
	(xrf0) =	vmin.scan.msk.u32 $0xffff, v7  }
0x50: {  	(xrf0) =	vmax.scan.msk.u32 $0xffff, v6;
	_ =	sdelay $0x2  }
0x51: {  	(v2sf) =	vpush v4, $0x1  }
0x52: {  	(v2sf) =	vpush v5, $0x1;
	v4, _, _ =	vpop (xrf2)  }
0x53: {  	v5, _, _ =	vpop (xrf0);
	(v2sf) =	vpush v4, $0xF  }
0x54: {  	v4, _, _ =	vpop (xrf0);
	(v2sf) =	vpush v5, $0xF  }
0x55: {  	(v2sf) =	vpush v4, $0xF;
	_ =	sdelay $0xa  }
0x56: {  	s18 =	spop (v2sf)  }
0x57: {  	s17 =	spop (v2sf)  }
0x58: {  	s19 =	spop (v2sf)  }
0x59: {  	s0 =	spop (v2sf)  }
0x5a: {  	p2 =	sgt.s32 s18, $0x0;
	s1 =	spop (v2sf)  }
0x5b: {  	s20 =	sxor.u32 $0x80000000, s0;
	s0 =	smov.u32 s18;
	s23 =	sxor.u32 $0x80000000, s1  }
0x5c: {  	s0 =	simm.s32 @!p2 $0x0;
	p2 =	sge.s32 s20, s23  }
.Ltmp4:
0x5d: {  	_ = 	snop;
	(pc) =	sbr.rel @!p2 .LBB2_6-.Ltmp4, $2  }
0x5e: {  	_ =	sdelay $0x2  }
0x5f: {  	s28 =	simm.s32 $0x1000;
	s21 =	simm.f32 $0.0e+00;
	s22 =	smin.u32 s0, $0x1000  }
.Ltmp5:
0x60: {  	(pc) =	sbr.rel .LBB2_20-.Ltmp5, $2  }
0x61: {  	_ =	sdelay $0x2  }
0x62: {  	p2 =	por $0x1, $0x1;
	s28 =	simm.s32 $0x10  }
.LBB2_33:
0x63: {  	s0 =	smov.u32 s25  }
0x64: {  	s23 =	smov.u32 @p2 s24;
	s28 =	smov.u32 @p2 s25;
	s0 =	simm.s32 @p2 $0x0  }
.LBB2_18:
0x65: {  	p2 =	sgt.s32 s22, s25;
	s1 =	sadd.s32 $0x1, s24  }
0x66: {  	p3 =	slt.s32 s28, $0x11;
	s20 =	smov.u32 @p2 s1  }
0x67: {  	p4 =	slt.s32 @!p3 s20, s23  }
0x68: {  	p3 =	por p3, !p4  }
.Ltmp6:
0x69: {  	_ = 	snop;
	(pc) =	sbr.rel @p3 .LBB2_19-.Ltmp6, $3  }
0x6a: {  	_ = 	snop  }
0x6b: {  	s1 =	sadd.f32 s26, s21;
	_ =	sdelay $0x1  }
0x6c: {  	s22 =	ssub.s32 s22, s0;
	s21 =	smov.u32 @p2 s1  }
.LBB2_6:
0x6d: {  	s0 =	sadd.s32 $0xF, s28  }
0x6e: {  	s1 =	sand.u32 $0xF, s0  }
0x6f: {  	s9 =	sshra.s32 s0, $0x1F;
	p2 =	slt.s32 s0, $0x0;
	p3 =	sne.s32 s1, $0x0  }
0x70: {  	s29 =	sshrl.u32 s9, $0x1C;
	p2 =	por !p2, !p3  }
0x71: {  	s1 =	simm.s32 $0x1;
	s0 =	sadd.s32 s29, s0;
	p2 =	por !p2, !p2  }
0x72: {  	s0 =	sshra.s32 s0, $0x4;
	s1 =	simm.s32 @!p2 $0x0  }
0x73: {  	s0 =	ssub.s32 s0, s1  }
0x74: {  	p2 =	slt.s32 s0, $0x1  }
.Ltmp7:
0x75: {  	_ = 	snop;
	(pc) =	sbr.rel @p2 .LBB2_7-.Ltmp7, $4  }
0x76: {  	_ = 	snop  }
0x77: {  	s30 =	ssub.s32 s23, s20  }
0x78: {  	s31 =	sshrl.u32 s30, $0x1  }
0x79: {  	s25 =	simm.s32 $0x0;
	s24 =	sadd.s32 s20, s31  }
0x7a: {  	v4 =	vld [tilespmem:s25+$0x0];
	_ =	sdelay $0x3  }
0x7b: {  	v5 =	vmov s28;
	v6 =	vmov s24;
	v7 =	vor.u32 s25, v1  }
0x7c: {  	vm1 =	vlt.s32 v7, v5;
	vm2 =	vle.s32 v4, v6  }
0x7d: {  	p3 =	sne.s32 s0, $0x1;
	vm3 =	vgt.s32 v4, v6;
	vm2 =	vmand vm1, vm2  }
.Ltmp8:
0x7e: {  	vm1 =	vmand vm1, vm3;
	v7 =	vmpcnt.ones.xlane vm2;
	(pc) =	sbr.rel @!p3 .LBB2_9-.Ltmp8, $4  }
0x7f: {  	v8 =	vmpcnt.ones.xlane vm1;
	v9 =	vnsel vm2, $0x0, v4  }
0x80: {  	(xrf2) =	vadd.scan.msk.f32 $0xffff, v9;
	v7 =	vxor.u32 $0x80000000, v7  }
0x81: {  	v8 =	vxor.u32 $0x80000000, v8;
	(xrf0) =	vmax.scan.msk.u32 $0xffff, v7  }
0x82: {  	s26 =	simm.f32 $0.0e+00;
	s0 =	sadd.s32 $0xFFFFFFFF, s0;
	p2 =	por $0x0, $0x0;
	(xrf0) =	vmax.scan.msk.u32 $0xffff, v8  }
0x83: {  	_ =	sdelay $0x4  }
0x84: {  	v7, _, _ =	vpop (xrf0)  }
0x85: {  	[tilespmem:s25+$0x0] =	vst.msk vm2, v4;
	(v2sf) =	vpush v7, $0xF;
	v7, _, _ =	vpop (xrf0)  }
0x86: {  	s28 =	simm.s32 $0x10;
	[tilespmem:s25+$0x1080] =	vst.msk vm1, v4;
	(v2sf) =	vpush v7, $0xF;
	v7, _, _ =	vpop (xrf2)  }
0x87: {  	v4 =	vld [tilespmem:s28+$0x0];
	(v2sf) =	vpush v7, $0xF;
	_ =	sdelay $0x3  }
0x88: {  	v7 =	vor.u32 s28, v1  }
0x89: {  	vm2 =	vle.s32 v4, v6;
	vm1 =	vlt.s32 v7, v5  }
0x8a: {  	vm3 =	vgt.s32 v4, v6;
	vm2 =	vmand vm1, vm2  }
0x8b: {  	vm1 =	vmand vm1, vm3;
	v7 =	vmpcnt.ones.xlane vm2;
	v9 =	vnsel vm2, $0x0, v4  }
0x8c: {  	v8 =	vmpcnt.ones.xlane vm1;
	(xrf2) =	vadd.scan.msk.f32 $0xffff, v9  }
0x8d: {  	v7 =	vxor.u32 $0x80000000, v7  }
0x8e: {  	p3 =	sne.s32 s0, $0x1;
	v8 =	vxor.u32 $0x80000000, v8;
	(xrf0) =	vmax.scan.msk.u32 $0xffff, v7  }
.Ltmp9:
0x8f: {  	(xrf0) =	vmax.scan.msk.u32 $0xffff, v8;
	(pc) =	sbr.rel @!p3 .LBB2_11-.Ltmp9, $4  }
0x90: {  	s31 =	sadd.s32 $0xFFFFFFFF, s0  }
0x91: {  	p2 =	por $0x1, $0x1;
	s30 =	simm.f32 $0.0e+00;
	s1 =	spop (v2sf)  }
0x92: {  	s0 =	simm.s32 $0x10;
	s9 =	sadd.s32 $0x0, s1;
	s10 =	spop (v2sf)  }
0x93: {  	s29 =	sadd.s32 $0x80000000, s9;
	s1 =	sadd.s32 $0x0, s10;
	s9 =	spop (v2sf)  }
.LBB2_12:
0x94: {  	p3 =	sne.s32 s31, $0x1;
	v7, _, _ =	vpop (xrf0);
	s1 =	sadd.s32 $0x80000000, s1;
	s30 =	sadd.f32 s9, s30  }
0x95: {  	s31 =	sadd.s32 $0xFFFFFFFF, s31;
	[tilespmem:s29+$0x0] =	vst.msk vm2, v4;
	(v2sf) =	vpush v7, $0xF;
	v7, _, _ =	vpop (xrf0)  }
0x96: {  	s28 =	sadd.s32 $0x10, s28;
	[tilespmem:s1+$0x1080] =	vst.msk vm1, v4;
	(v2sf) =	vpush v7, $0xF;
	v7, _, _ =	vpop (xrf2)  }
0x97: {  	v4 =	vld [tilespmem:s28+$0x0];
	(v2sf) =	vpush v7, $0xF;
	_ =	sdelay $0x2  }
0x98: {  	s0 =	sadd.s32 $0x10, s0  }
0x99: {  	v7 =	vor.u32 s0, v1  }
0x9a: {  	vm1 =	vlt.s32 v7, v5;
	vm2 =	vle.s32 v4, v6;
	vm3 =	vgt.s32 v4, v6  }
0x9b: {  	vm2 =	vmand vm1, vm2;
	vm1 =	vmand vm1, vm3  }
0x9c: {  	v7 =	vmpcnt.ones.xlane vm2;
	v8 =	vmpcnt.ones.xlane vm1;
	v9 =	vnsel vm2, $0x0, v4  }
0x9d: {  	(xrf2) =	vadd.scan.msk.f32 $0xffff, v9  }
0x9e: {  	v7 =	vxor.u32 $0x80000000, v7;
	v8 =	vxor.u32 $0x80000000, v8  }
0x9f: {  	(xrf0) =	vmax.scan.msk.u32 $0xffff, v7  }
.Ltmp10:
0xa0: {  	(xrf0) =	vmax.scan.msk.u32 $0xffff, v8;
	(pc) =	sbr.rel @p3 .LBB2_12-.Ltmp10, $4  }
0xa1: {  	_ = 	snop  }
0xa2: {  	s9 =	spop (v2sf)  }
0xa3: {  	s9 =	sadd.s32 s9, s29;
	s10 =	spop (v2sf)  }
0xa4: {  	s29 =	sadd.s32 $0x80000000, s9;
	s1 =	sadd.s32 s10, s1;
	s9 =	spop (v2sf)  }
.LBB2_13:
0xa5: {  	v5, _, _ =	vpop (xrf0)  }
0xa6: {  	(v2sf) =	vpush v5, $0xF;
	v5, _, _ =	vpop (xrf0)  }
0xa7: {  	(v2sf) =	vpush v5, $0xF;
	v5, _, _ =	vpop (xrf2)  }
0xa8: {  	(v2sf) =	vpush v5, $0xF;
	_ =	sdelay $0xb  }
.Ltmp11:
0xa9: {  	s0 =	sadd.s32 @p2 $0x80000000, s1;
	s1 =	sadd.f32 @p2 s9, s30;
	(pc) =	sbr.rel .LBB2_14-.Ltmp11, $4  }
0xaa: {  	s10 =	spop (v2sf)  }
0xab: {  	s25 =	smov.u32 @p2 s0;
	s26 =	smov.u32 @p2 s1;
	s31 =	spop (v2sf)  }
0xac: {  	[tilespmem:s29+$0x0] =	vst.msk vm2, v4;
	s30 =	sadd.s32 s10, s29;
	s9 =	sadd.s32 s31, s25;
	s10 =	spop (v2sf)  }
0xad: {  	[tilespmem:s25+$0x1080] =	vst.msk vm1, v4;
	s25 =	sadd.s32 $0x80000000, s30;
	s28 =	sadd.s32 $0x80000000, s9;
	s26 =	sadd.f32 s10, s26  }
.LBB2_7:
0xae: {  	s28 =	simm.s32 $0x0;
	s26 =	simm.f32 $0.0e+00  }
.LBB2_14:
0xaf: {  	p2 =	sle.s32 s22, s25  }
0xb0: {  	s0 =	sadd.s32 @!p2 $0xF, s28  }
0xb1: {  	s1 =	sand.u32 @!p2 $0xF, s0  }
0xb2: {  	p3 =	slt.s32 @!p2 s0, $0x1;
	p4 =	sne.s32 @!p2 s1, $0x0  }
0xb3: {  	s1 =	sshra.s32 @!p2 s0, $0x1F;
	p3 =	por @!p2 !p3, !p4  }
0xb4: {  	s1 =	sshrl.u32 @!p2 s1, $0x1C;
	p3 =	por @!p2 !p3, !p3  }
0xb5: {  	s0 =	sadd.s32 @!p2 s1, s0;
	s1 =	simm.s32 @!p2 $0x1;
	p3 =	por !p3, p2  }
0xb6: {  	s0 =	sshra.s32 @!p2 s0, $0x4;
	s1 =	simm.s32 @p3 $0x0  }
0xb7: {  	s1 =	ssub.s32 @!p2 s0, s1  }
0xb8: {  	p3 =	slt.s32 @!p2 s1, $0x1  }
0xb9: {  	p3 =	por p2, p3  }
.Ltmp12:
0xba: {  	_ = 	snop;
	(pc) =	sbr.rel @p3 .LBB2_33-.Ltmp12, $1  }
0xbb: {  	_ =	sdelay $0x3  }
0xbc: {  	s9 =	simm.s32 @!p2 $0x1080  }
0xbd: {  	s0 =	simm.s32 @!p2 $0x0;
	p2 =	sne.s32 s1, $0x1;
	v4 =	vld [tilespmem:s9+$0x0]  }
.Ltmp13:
0xbe: {  	_ = 	snop;
	(pc) =	sbr.rel @!p2 .LBB2_17-.Ltmp13, $2  }
0xbf: {  	_ =	sdelay $0x2  }
0xc0: {  	s1 =	sadd.s32 $0xFFFFFFFF, s1;
	s9 =	simm.s32 $0x1090;
	[tilespmem:s0+$0x0] =	vst v4  }
.LBB2_16:
0xc1: {  	v4 =	vld [tilespmem:s9+$0x0];
	p2 =	sne.s32 s1, $0x1;
	s1 =	sadd.s32 $0xFFFFFFFF, s1  }
.Ltmp14:
0xc2: {  	(pc) =	sbr.rel @p2 .LBB2_16-.Ltmp14, $3  }
0xc3: {  	_ =	sdelay $0x1  }
0xc4: {  	s0 =	sadd.s32 $0x10, s0  }
0xc5: {  	s9 =	sadd.s32 $0x10, s9;
	[tilespmem:s0+$0x0] =	vst v4  }
.LBB2_17:
.Ltmp15:
0xc6: {  	(pc) =	sbr.rel .LBB2_18-.Ltmp15, $2  }
0xc7: {  	_ =	sdelay $0x2  }
0xc8: {  	s0 =	smov.u32 s25  }
.LBB2_9:
.Ltmp16:
0xc9: {  	(pc) =	sbr.rel .LBB2_13-.Ltmp16, $2  }
0xca: {  	_ =	sdelay $0x2  }
0xcb: {  	s30 =	simm.f32 $0.0e+00;
	s29 =	simm.s32 $0x0  }
.LBB2_11:
.Ltmp17:
0xcc: {  	(pc) =	sbr.rel .LBB2_13-.Ltmp17, $2  }
0xcd: {  	_ =	sdelay $0x2  }
0xce: {  	s30 =	simm.f32 $0.0e+00  }
.LBB2_19:
0xcf: {  	p2 =	sgt.s32 s28, $0x10;
	p3 =	slt.s32 s28, $0x10  }
0xd0: {  	s9 =	simm.s32 $0x80;
	s10 =	simm.s32 $0x400;
	s28 =	simm.s32 @!p3 $0x10  }
.LBB2_20:
0xd1: {  	v4 =	vld [tilespmem:$0x0];
	_ =	sdelay $0x3  }
0xd2: {  	v5 =	vmov s28  }
0xd3: {  	vm1 =	vgt.s32 v5, v1;
	v5 =	vxor.u32 $0x80000000, v4  }
0xd4: {  	(xrf1) =	vsort.ascd.msk.u32 vm1, v5, v4;
	_ =	sdelay $0xd  }
0xd5: {  	v4, _, _ =	vpop (xrf1)  }
0xd6: {  	v4 =	vxor.u32 $0x80000000, v4  }
0xd7: {  	v4 =	vnsel vm1, $0x0, v4  }
0xd8: {  	(xrf2) =	vadd.scan.msk.f32 $0xffff, v4;
	_ =	sdelay $0x7  }
0xd9: {  	s0 =	sadd.s32 $0xFFFFFFFF, s22  }
0xda: {  	v4 =	vmov s0  }
0xdb: {  	vm1 =	veq.s32 v4, v1;
	v5, _, _ =	vpop (xrf2)  }
0xdc: {  	v4 =	vnsel vm1, $0x0, v5  }
0xdd: {  	(xrf2) =	vadd.scan.msk.f32 $0xffff, v4;
	_ =	sdelay $0x9  }
0xde: {  	v4, _, _ =	vpop (xrf2)  }
0xdf: {  	(v2sf) =	vpush v4, $0xF;
	_ =	sdelay $0xb  }
0xe0: {  	s31 =	scvt.s32.f32 s22;
	_ =	sdelay $0x1  }
0xe1: {  	s0 =	smul.f32 s20, s31  }
0xe2: {  	s1 =	spop (v2sf)  }
0xe3: {  	s1 =	smov.u32 @p2 s0  }
0xe4: {  	s0 =	sadd.f32 s1, s21  }
0xe5: {  	p2 =	slt.s32 s18, $0x1  }
0xe6: {  	p3 =	sgt.s32 s18, $0xFFF;
	s0 =	simm.s32 @p2 $0x0  }
0xe7: {  	s0 =	smov.u32 @p3 s19  }
0xe8: {  	s0 =	smul.f32 s0, s17;
	_ =	sdelay $0x1  }
0xe9: {  	v4 =	vmov s0  }
0xea: {  	v4 =	vnsel vm0, $0x0, v4  }
0xeb: {  	[tilespmem:$0x2600] =	vst v4  }
.LBB2_21:
.Ltmp18:
0xec: {  	(pc) =	sbr.rel @!p1 .LBB2_31-.Ltmp18, $1  }
0xed: {  	_ =	sdelay $0x3  }
0xee: {  	[tilespmem:s14], [sflag:$0x1] =	stream.strided.gather [hbm4b:s6+s9], $0x400, s10, s9, $0x38;
	[tilespmem:$0x2680] =	vst v63  }
0xef: {  	_ =	swait.ge [sflag:s11], $0x400  }
0xf0: {  	[sflag:s11] =	ssyncset.done $0x0  }
0xf1: {  	s0 =	simm.s32 $0x0;
	[sflag:s11] =	ssyncadd.s32 $0xFFFFFC00  }
0xf2: {  	[tilespmem:s12], [sflag:$0x1] =	stream.linear.gather [hbm4b:s4+s0], $0x80, $0x38;
	[tilespmem:$0x2680] =	vst v63  }
0xf3: {  	_ =	swait.ge [sflag:s11], $0x80  }
0xf4: {  	[sflag:s11] =	ssyncset.done $0x0  }
0xf5: {  	[sflag:s11] =	ssyncadd.s32 $0xFFFFFF80  }
0xf6: {  	v11 =	vor.u32 s0, v2;
	[tilespmem:s13], [sflag:$0x1] =	stream.linear.gather [hbm4b:s5+s0], $0x80, $0x38;
	[tilespmem:$0x2680] =	vst v63  }
0xf7: {  	s25 =	simm.s32 $0x1;
	_ =	swait.ge [sflag:s11], $0x80  }
0xf8: {  	v12 =	vor.u32 s25, v2;
	[sflag:s11] =	ssyncset.done $0x0  }
0xf9: {  	s26 =	simm.s32 $0x2;
	[sflag:s11] =	ssyncadd.s32 $0xFFFFFF80  }
0xfa: {  	v13 =	vor.u32 s26, v2;
	v6 =	vld [tilespmem:$0x2500]  }
0xfb: {  	s28 =	simm.s32 $0x3;
	v14 =	vld.idx.msk [tilespmem:v11+s14+$0x0], $0xffff  }
0xfc: {  	v15 =	vor.u32 s28, v2;
	v4 =	vld [tilespmem:$0x2580]  }
0xfd: {  	s29 =	simm.s32 $0x4;
	v12 =	vld.idx.msk [tilespmem:v12+s14+$0x0], $0xffff  }
0xfe: {  	v10 =	vimm.f32 $0.0e+00;
	s1 =	simm.s32 $0x5;
	v16 =	vor.u32 s29, v2;
	v5 =	vld [tilespmem:$0x2510]  }
0xff: {  	v9 =	vimm.s32 $0x0;
	v7 =	vimm.s32 $0x7FFFFFFF;
	v18 =	vor.u32 s1, v2;
	v17 =	vld.idx.msk [tilespmem:v13+s14+$0x0], $0xffff  }
0x100: {  	s17 =	simm.s32 $0x10C0;
	s30 =	simm.s32 $0x6;
	v8 =	vld [tilespmem:$0x2590];
	vm1 =	vgt.s32 v9, v14;
	vm2 =	vlt.s32 v7, v14;
	v10 =	vadd.f32 v14, v10  }
0x101: {  	s31 =	simm.s32 $0x7;
	v11 =	vor.u32 s30, v2;
	[tilespmem:s17+$0xFFFFFFC0] =	vst v14;
	v19 =	vsel vm1, v9, v14;
	v7 =	vsel vm2, v7, v14;
	v9 =	vld.idx.msk [tilespmem:v15+s14+$0x0], $0xffff  }
0x102: {  	v13 =	vor.u32 s31, v2;
	[tilespmem:s17+$0xFFFFFFD0] =	vst v12;
	vm1 =	vgt.s32 v19, v12;
	vm2 =	vlt.s32 v7, v12  }
0x103: {  	s18 =	simm.s32 $0x8;
	v14 =	vadd.f32 v12, v10;
	v10 =	vld.idx.msk [tilespmem:v16+s14+$0x0], $0xffff;
	v15 =	vsel vm1, v19, v12;
	v19 =	vsel vm2, v7, v12  }
0x104: {  	[tilespmem:s17+$0xFFFFFFE0] =	vst v17;
	v12 =	vor.u32 s18, v2;
	vm1 =	vgt.s32 v15, v17;
	vm2 =	vlt.s32 v19, v17  }
0x105: {  	s19 =	simm.s32 $0x10;
	s0 =	simm.s32 $0x9;
	v7 =	vld.idx.msk [tilespmem:v18+s14+$0x0], $0xffff;
	v16 =	vadd.f32 v17, v14;
	v14 =	vsel vm1, v15, v17;
	v15 =	vsel vm2, v19, v17  }
.LBB2_23:
0x106: {  	p2 =	slt.u32 s19, $0x38;
	v17 =	vor.u32 s0, v2;
	[tilespmem:s17+$0xFFFFFFF0] =	vst v9;
	vm1 =	vgt.s32 v14, v9;
	vm2 =	vlt.s32 v15, v9;
	v11 =	vld.idx.msk [tilespmem:v11+s14+$0x0], $0xffff  }
0x107: {  	s0 =	sadd.s32 $0x2, s18;
	v16 =	vadd.f32 v9, v16;
	v14 =	vsel vm1, v14, v9;
	v9 =	vsel vm2, v15, v9  }
0x108: {  	v15 =	vor.u32 s0, v2;
	[tilespmem:s17+$0x0] =	vst v10;
	vm1 =	vgt.s32 v14, v10;
	vm2 =	vlt.s32 v9, v10;
	v13 =	vld.idx.msk [tilespmem:v13+s14+$0x0], $0xffff  }
0x109: {  	s0 =	sadd.s32 $0x3, s18;
	v16 =	vadd.f32 v10, v16;
	v14 =	vsel vm1, v14, v10;
	v9 =	vsel vm2, v9, v10  }
0x10a: {  	v10 =	vld.idx.msk [tilespmem:v12+s14+$0x0], $0xffff;
	v12 =	vor.u32 s0, v2;
	[tilespmem:s17+$0x10] =	vst v7;
	vm1 =	vgt.s32 v14, v7;
	vm2 =	vlt.s32 v9, v7  }
0x10b: {  	s0 =	sadd.s32 $0x4, s18;
	v16 =	vadd.f32 v7, v16;
	v14 =	vsel vm1, v14, v7;
	v7 =	vsel vm2, v9, v7  }
0x10c: {  	v18 =	vor.u32 s0, v2;
	v17 =	vld.idx.msk [tilespmem:v17+s14+$0x0], $0xffff;
	[tilespmem:s17+$0x20] =	vst v11;
	vm1 =	vgt.s32 v14, v11;
	vm2 =	vlt.s32 v7, v11  }
0x10d: {  	s0 =	sadd.s32 $0x5, s18;
	v9 =	vadd.f32 v11, v16;
	v14 =	vsel vm1, v14, v11;
	v7 =	vsel vm2, v7, v11  }
0x10e: {  	v16 =	vor.u32 s0, v2;
	v15 =	vld.idx.msk [tilespmem:v15+s14+$0x0], $0xffff;
	[tilespmem:s17+$0x30] =	vst v13;
	vm1 =	vgt.s32 v14, v13;
	vm2 =	vlt.s32 v7, v13  }
0x10f: {  	s0 =	sadd.s32 $0x6, s18;
	s17 =	sadd.s32 $0x80, s17;
	v19 =	vadd.f32 v13, v9;
	v14 =	vsel vm1, v14, v13;
	v7 =	vsel vm2, v7, v13  }
0x110: {  	v11 =	vor.u32 s0, v2;
	[tilespmem:s17+$0xFFFFFFC0] =	vst v10;
	vm1 =	vgt.s32 v14, v10;
	vm2 =	vlt.s32 v7, v10;
	v9 =	vld.idx.msk [tilespmem:v12+s14+$0x0], $0xffff  }
.Ltmp19:
0x111: {  	s0 =	sadd.s32 $0x7, s18;
	s18 =	smov.u32 s19;
	v12 =	vadd.f32 v10, v19;
	v14 =	vsel vm1, v14, v10;
	v7 =	vsel vm2, v7, v10;
	(pc) =	sbr.rel @p2 .LBB2_23-.Ltmp19, $4  }
0x112: {  	v13 =	vor.u32 s0, v2;
	[tilespmem:s17+$0xFFFFFFD0] =	vst v17;
	vm1 =	vgt.s32 v14, v17;
	vm2 =	vlt.s32 v7, v17;
	v10 =	vld.idx.msk [tilespmem:v18+s14+$0x0], $0xffff  }
0x113: {  	v18 =	vadd.f32 v17, v12;
	v14 =	vsel vm1, v14, v17;
	v17 =	vsel vm2, v7, v17  }
0x114: {  	v12 =	vor.u32 s19, v2;
	[tilespmem:s17+$0xFFFFFFE0] =	vst v15;
	vm1 =	vgt.s32 v14, v15;
	vm2 =	vlt.s32 v17, v15;
	v7 =	vld.idx.msk [tilespmem:v16+s14+$0x0], $0xffff  }
0x115: {  	s0 =	sadd.s32 $0x1, s18;
	s19 =	sadd.s32 $0x8, s19;
	v16 =	vadd.f32 v15, v18;
	v14 =	vsel vm1, v14, v15;
	v15 =	vsel vm2, v17, v15  }
0x116: {  	_ =	sdelay $0x2  }
0x117: {  	vm1 =	vgt.s32 v14, v9;
	vm2 =	vlt.s32 v15, v9  }
0x118: {  	v11 =	vld.idx.msk [tilespmem:v11+s14+$0x0], $0xffff;
	v16 =	vadd.f32 v9, v16;
	v14 =	vsel vm1, v14, v9;
	v15 =	vsel vm2, v15, v9  }
0x119: {  	v17 =	vor.u32 s0, v2;
	vm1 =	vgt.s32 v14, v10;
	vm2 =	vlt.s32 v15, v10  }
0x11a: {  	s23 =	sadd.s32 $0x2, s18;
	v13 =	vld.idx.msk [tilespmem:v13+s14+$0x0], $0xffff;
	v16 =	vadd.f32 v10, v16;
	v14 =	vsel vm1, v14, v10;
	v15 =	vsel vm2, v15, v10  }
0x11b: {  	v18 =	vor.u32 s23, v2;
	vm1 =	vgt.s32 v14, v7;
	vm2 =	vlt.s32 v15, v7  }
0x11c: {  	s24 =	sadd.s32 $0x3, s18;
	v12 =	vld.idx.msk [tilespmem:v12+s14+$0x0], $0xffff;
	v16 =	vadd.f32 v7, v16;
	v14 =	vsel vm1, v14, v7;
	v15 =	vsel vm2, v15, v7  }
0x11d: {  	[tilespmem:s17+$0xFFFFFFF0] =	vst v9;
	v9 =	vor.u32 s24, v2;
	vm1 =	vgt.s32 v14, v11;
	vm2 =	vlt.s32 v15, v11  }
0x11e: {  	s25 =	sadd.s32 $0x4, s18;
	v17 =	vld.idx.msk [tilespmem:v17+s14+$0x0], $0xffff;
	v16 =	vadd.f32 v11, v16;
	v14 =	vsel vm1, v14, v11;
	v15 =	vsel vm2, v15, v11  }
0x11f: {  	[tilespmem:s17+$0x0] =	vst v10;
	v10 =	vor.u32 s25, v2;
	vm1 =	vgt.s32 v14, v13;
	vm2 =	vlt.s32 v15, v13  }
0x120: {  	s26 =	sadd.s32 $0x5, s18;
	v18 =	vld.idx.msk [tilespmem:v18+s14+$0x0], $0xffff;
	v16 =	vadd.f32 v13, v16;
	v14 =	vsel vm1, v14, v13;
	v15 =	vsel vm2, v15, v13  }
0x121: {  	[tilespmem:s17+$0x10] =	vst v7;
	v7 =	vor.u32 s26, v2;
	vm1 =	vgt.s32 v14, v12;
	vm2 =	vlt.s32 v15, v12  }
0x122: {  	s28 =	sadd.s32 $0x6, s18;
	v9 =	vld.idx.msk [tilespmem:v9+s14+$0x0], $0xffff;
	v16 =	vadd.f32 v12, v16;
	v14 =	vsel vm1, v14, v12;
	v15 =	vsel vm2, v15, v12  }
0x123: {  	[tilespmem:s17+$0x20] =	vst v11;
	v11 =	vor.u32 s28, v2;
	vm1 =	vgt.s32 v14, v17;
	vm2 =	vlt.s32 v15, v17  }
0x124: {  	s29 =	sadd.s32 $0x7, s18;
	v10 =	vld.idx.msk [tilespmem:v10+s14+$0x0], $0xffff;
	v16 =	vadd.f32 v17, v16;
	v14 =	vsel vm1, v14, v17;
	v15 =	vsel vm2, v15, v17  }
0x125: {  	v58 =	vor.u32 s29, v2;
	vm1 =	vgt.s32 v14, v18;
	vm2 =	vlt.s32 v15, v18  }
0x126: {  	v7 =	vld.idx.msk [tilespmem:v7+s14+$0x0], $0xffff;
	v14 =	vsel vm1, v14, v18;
	v16 =	vadd.f32 v18, v16;
	v15 =	vsel vm2, v15, v18  }
0x127: {  	[tilespmem:s17+$0x30] =	vst v13;
	vm1 =	vgt.s32 v14, v9;
	vm2 =	vlt.s32 v15, v9  }
0x128: {  	s30 =	sadd.s32 $0x80, s17;
	v11 =	vld.idx.msk [tilespmem:v11+s14+$0x0], $0xffff;
	v59 =	vadd.f32 v9, v16;
	v14 =	vsel vm1, v14, v9;
	v15 =	vsel vm2, v15, v9  }
0x129: {  	[tilespmem:s30+$0xFFFFFFC0] =	vst v12;
	vm1 =	vgt.s32 v14, v10;
	vm2 =	vlt.s32 v15, v10  }
0x12a: {  	v13 =	vld.idx.msk [tilespmem:v58+s14+$0x0], $0xffff;
	v12 =	vadd.f32 v10, v59;
	v14 =	vsel vm1, v14, v10;
	v15 =	vsel vm2, v15, v10  }
0x12b: {  	vm1 =	vgt.s32 v14, v7;
	vm2 =	vlt.s32 v15, v7  }
0x12c: {  	[tilespmem:s30+$0xFFFFFFF0] =	vst v9;
	v9 =	vadd.f32 v7, v12;
	v60 =	vsel vm1, v14, v7;
	v61 =	vsel vm2, v15, v7  }
0x12d: {  	vm1 =	vgt.s32 v60, v11;
	vm2 =	vlt.s32 v61, v11  }
0x12e: {  	[tilespmem:s30+$0x10] =	vst v7;
	v7 =	vadd.f32 v11, v9;
	v9 =	vsel vm1, v60, v11;
	v62 =	vsel vm2, v61, v11  }
0x12f: {  	vm1 =	vgt.s32 v9, v13;
	vm2 =	vlt.s32 v62, v13  }
0x130: {  	[tilespmem:s30+$0x0] =	vst v10;
	v10 =	vsel vm1, v9, v13;
	v9 =	vsel vm2, v62, v13  }
0x131: {  	[tilespmem:s30+$0x20] =	vst v11;
	v11 =	vsub.s32 v10, v9  }
0x132: {  	v63 =	vxor.u32 $0x80000000, v11  }
0x133: {  	(xrf0) =	vmax.scan.msk.u32 $0xffff, v63;
	_ =	sdelay $0x5  }
0x134: {  	(v2sf) =	vpush v8, $0x0;
	v8, _, _ =	vpop (xrf0)  }
0x135: {  	(v2sf) =	vpush v8, $0xF;
	_ =	sdelay $0xd  }
0x136: {  	s17 =	spop (v2sf)  }
0x137: {  	s31 =	spop (v2sf)  }
0x138: {  	p2 =	sgt.u32 s31, $0x80000000  }
.Ltmp20:
0x139: {  	_ = 	snop;
	(pc) =	sbr.rel @!p2 .LBB2_28-.Ltmp20, $4  }
0x13a: {  	_ = 	snop  }
0x13b: {  	[tilespmem:s30+$0xFFFFFFD0] =	vst v17  }
0x13c: {  	[tilespmem:s30+$0xFFFFFFE0] =	vst v18  }
0x13d: {  	[tilespmem:s30+$0x30] =	vst v13;
	v7 =	vadd.f32 v13, v7  }
.LBB2_25:
0x13e: {  	s1 =	simm.s32 $0x10C0  }
0x13f: {  	v12 =	vld [tilespmem:s1+$0xFFFFFFC0]  }
0x140: {  	v14 =	vld [tilespmem:s1+$0xFFFFFFD0]  }
0x141: {  	v15 =	vld [tilespmem:s1+$0xFFFFFFE0]  }
0x142: {  	v8 =	vshrl.u32 v11, $0x1;
	v13 =	vld [tilespmem:s1+$0xFFFFFFF0]  }
0x143: {  	v8 =	vadd.s32 v9, v8;
	v11 =	vld [tilespmem:s1+$0x0]  }
0x144: {  	vm1 =	vle.s32 v12, v8;
	v12 =	vld [tilespmem:s1+$0x10]  }
0x145: {  	v16 =	vimm.s32 $0x0;
	v17 =	vsel vm1, $0x1, v3;
	vm1 =	vle.s32 v14, v8;
	v14 =	vld [tilespmem:s1+$0x20]  }
0x146: {  	s0 =	simm.s32 $0x0;
	s18 =	simm.s32 $0x1140;
	v16 =	vadd.s32 v17, v16;
	v17 =	vsel vm1, $0x1, v3;
	vm1 =	vle.s32 v15, v8;
	v15 =	vld [tilespmem:s1+$0x30]  }
.LBB2_26:
0x147: {  	v18 =	vld [tilespmem:s18+$0xFFFFFFC0];
	s0 =	sadd.s32 $0x8, s0;
	v16 =	vadd.s32 v17, v16;
	v17 =	vsel vm1, $0x1, v3;
	vm1 =	vle.s32 v13, v8  }
0x148: {  	v19 =	vld [tilespmem:s18+$0xFFFFFFD0];
	p2 =	slt.u32 s0, $0x38;
	v13 =	vadd.s32 v17, v16;
	v16 =	vsel vm1, $0x1, v3;
	vm1 =	vle.s32 v11, v8  }
0x149: {  	v20 =	vld [tilespmem:s18+$0xFFFFFFE0];
	v11 =	vadd.s32 v16, v13;
	v16 =	vsel vm1, $0x1, v3;
	vm1 =	vle.s32 v12, v8  }
.Ltmp21:
0x14a: {  	v13 =	vld [tilespmem:s18+$0xFFFFFFF0];
	v12 =	vadd.s32 v16, v11;
	v16 =	vsel vm1, $0x1, v3;
	vm1 =	vle.s32 v14, v8;
	(pc) =	sbr.rel @p2 .LBB2_26-.Ltmp21, $4  }
0x14b: {  	v11 =	vld [tilespmem:s18+$0x0];
	v14 =	vadd.s32 v16, v12;
	v16 =	vsel vm1, $0x1, v3;
	vm1 =	vle.s32 v15, v8  }
0x14c: {  	vm2 =	vle.s32 v18, v8;
	v12 =	vld [tilespmem:s18+$0x10];
	v15 =	vadd.s32 v16, v14;
	v16 =	vsel vm1, $0x1, v3  }
0x14d: {  	v17 =	vsel vm2, $0x1, v3;
	vm1 =	vle.s32 v19, v8;
	v14 =	vld [tilespmem:s18+$0x20];
	v15 =	vadd.s32 v16, v15  }
0x14e: {  	v16 =	vadd.s32 v17, v15;
	v17 =	vsel vm1, $0x1, v3;
	vm1 =	vle.s32 v20, v8;
	v15 =	vld [tilespmem:s18+$0x30];
	s18 =	sadd.s32 $0x80, s18  }
0x14f: {  	v16 =	vadd.s32 v17, v16;
	v58 =	vsel vm1, $0x1, v3;
	vm1 =	vle.s32 v13, v8  }
0x150: {  	v59 =	vadd.s32 v58, v16;
	v60 =	vsel vm1, $0x1, v3;
	vm1 =	vle.s32 v11, v8  }
0x151: {  	v11 =	vadd.s32 v60, v59;
	v61 =	vsel vm1, $0x1, v3;
	vm1 =	vle.s32 v12, v8  }
0x152: {  	v11 =	vadd.s32 v61, v11;
	v12 =	vsel vm1, $0x1, v3;
	vm1 =	vle.s32 v14, v8  }
0x153: {  	v11 =	vadd.s32 v12, v11;
	v62 =	vsel vm1, $0x1, v3;
	vm1 =	vle.s32 v15, v8  }
0x154: {  	v11 =	vadd.s32 v62, v11;
	v63 =	vsel vm1, $0x1, v3  }
0x155: {  	v11 =	vadd.s32 v63, v11  }
0x156: {  	vm1 =	vlt.s32 v11, v6;
	v11 =	vadd.s32 $0x1, v8  }
0x157: {  	v9 =	vsel vm1, v11, v9;
	v10 =	vsel vm1, v10, v8  }
0x158: {  	v11 =	vsub.s32 v10, v9  }
0x159: {  	v8 =	vxor.u32 $0x80000000, v11  }
0x15a: {  	(xrf0) =	vmax.scan.msk.u32 $0xffff, v8;
	_ =	sdelay $0x5  }
0x15b: {  	v8, _, _ =	vpop (xrf0)  }
0x15c: {  	(v2sf) =	vpush v8, $0xF;
	_ =	sdelay $0xe  }
0x15d: {  	s0 =	spop (v2sf)  }
0x15e: {  	p2 =	sgt.u32 s0, $0x80000000  }
.Ltmp22:
0x15f: {  	_ = 	snop;
	(pc) =	sbr.rel @p2 .LBB2_25-.Ltmp22, $1  }
0x160: {  	_ =	sdelay $0x3  }
.LBB2_28:
0x161: {  	s0 =	simm.s32 $0x10C0  }
0x162: {  	v11 =	vld [tilespmem:s0+$0xFFFFFFC0];
	_ =	sdelay $0x1  }
0x163: {  	v12 =	vld [tilespmem:s0+$0xFFFFFFD0]  }
0x164: {  	v8 =	vld [tilespmem:s0+$0x30]  }
0x165: {  	v13 =	vld [tilespmem:s0+$0xFFFFFFE0]  }
0x166: {  	v15 =	vld [tilespmem:s0+$0xFFFFFFF0];
	vm5 =	vlt.s32 v11, v9  }
0x167: {  	v14 =	vimm.f32 $0.0e+00;
	v10 =	vld [tilespmem:s0+$0x20];
	v11 =	vnsel vm5, $0x0, v11  }
0x168: {  	v16 =	vld [tilespmem:s0+$0x0];
	vm6 =	vlt.s32 v12, v9;
	v14 =	vadd.f32 v11, v14  }
0x169: {  	v12 =	vnsel vm6, $0x0, v12;
	v11 =	vld [tilespmem:s0+$0x10]  }
0x16a: {  	vm7 =	vlt.s32 v13, v9;
	v12 =	vadd.f32 v12, v14  }
0x16b: {  	vm4 =	vlt.s32 v15, v9;
	v13 =	vnsel vm7, $0x0, v13  }
0x16c: {  	vm1 =	vlt.s32 v8, v9;
	vm2 =	vlt.s32 v10, v9;
	v12 =	vadd.f32 v13, v12  }
0x16d: {  	v14 =	vimm.s32 $0x0;
	v13 =	vnsel vm4, $0x0, v15;
	v15 =	vsel vm5, $0x1, v3  }
0x16e: {  	vm5 =	vlt.s32 v16, v9;
	vm3 =	vlt.s32 v11, v9;
	v12 =	vadd.f32 v13, v12  }
0x16f: {  	v13 =	vadd.s32 v15, v14;
	v14 =	vsel vm6, $0x1, v3;
	v15 =	vnsel vm5, $0x0, v16  }
0x170: {  	s18 =	simm.s32 $0x0;
	s19 =	simm.s32 $0x1140;
	v13 =	vadd.s32 v14, v13;
	v14 =	vsel vm7, $0x1, v3;
	v12 =	vadd.f32 v15, v12  }
.LBB2_29:
0x171: {  	v15 =	vld [tilespmem:s19+$0xFFFFFFC0];
	s18 =	sadd.s32 $0x8, s18;
	v13 =	vadd.s32 v14, v13;
	v14 =	vsel vm4, $0x1, v3;
	v11 =	vnsel vm3, $0x0, v11  }
0x172: {  	p2 =	slt.u32 s18, $0x38;
	v13 =	vadd.s32 v14, v13;
	v14 =	vsel vm5, $0x1, v3;
	v11 =	vadd.f32 v11, v12  }
0x173: {  	v10 =	vnsel vm2, $0x0, v10;
	v12 =	vld [tilespmem:s19+$0xFFFFFFD0];
	v13 =	vadd.s32 v14, v13;
	v14 =	vsel vm3, $0x1, v3  }
0x174: {  	v16 =	vld [tilespmem:s19+$0x30];
	v13 =	vadd.s32 v14, v13;
	v14 =	vsel vm2, $0x1, v3;
	v11 =	vadd.f32 v10, v11  }
0x175: {  	v8 =	vnsel vm1, $0x0, v8;
	v17 =	vld [tilespmem:s19+$0xFFFFFFE0];
	v13 =	vadd.s32 v14, v13;
	v14 =	vsel vm1, $0x1, v3  }
0x176: {  	vm5 =	vlt.s32 v15, v9;
	v10 =	vld [tilespmem:s19+$0x20];
	v13 =	vadd.s32 v14, v13;
	v19 =	vadd.f32 v8, v11  }
0x177: {  	v11 =	vnsel vm5, $0x0, v15;
	v14 =	vld [tilespmem:s19+$0xFFFFFFF0]  }
0x178: {  	v15 =	vadd.f32 v11, v19;
	vm6 =	vlt.s32 v12, v9;
	v11 =	vld [tilespmem:s19+$0x10]  }
0x179: {  	v12 =	vnsel vm6, $0x0, v12;
	v18 =	vld [tilespmem:s19+$0x0];
	v8 =	vmov v16  }
0x17a: {  	v12 =	vadd.f32 v12, v15;
	vm7 =	vlt.s32 v17, v9  }
0x17b: {  	v15 =	vnsel vm7, $0x0, v17  }
.Ltmp23:
0x17c: {  	vm1 =	vlt.s32 v8, v9;
	v12 =	vadd.f32 v15, v12;
	vm4 =	vlt.s32 v14, v9;
	(pc) =	sbr.rel @p2 .LBB2_29-.Ltmp23, $4  }
0x17d: {  	vm2 =	vlt.s32 v10, v9;
	v14 =	vnsel vm4, $0x0, v14;
	vm3 =	vlt.s32 v11, v9  }
0x17e: {  	v15 =	vsel vm5, $0x1, v3;
	v12 =	vadd.f32 v14, v12;
	vm5 =	vlt.s32 v18, v9  }
0x17f: {  	v13 =	vadd.s32 v15, v13;
	v14 =	vsel vm6, $0x1, v3;
	v15 =	vnsel vm5, $0x0, v18  }
0x180: {  	s19 =	sadd.s32 $0x80, s19;
	v13 =	vadd.s32 v14, v13;
	v14 =	vsel vm7, $0x1, v3;
	v12 =	vadd.f32 v15, v12  }
0x181: {  	v13 =	vadd.s32 v14, v13;
	v55 =	vsel vm4, $0x1, v3  }
0x182: {  	v56 =	vsel vm5, $0x1, v3;
	v13 =	vadd.s32 v55, v13  }
0x183: {  	v57 =	vsel vm3, $0x1, v3;
	(xrf1) =	vsort.ascd.msk.f32 $0xffff, v7, v7;
	v13 =	vadd.s32 v56, v13  }
0x184: {  	v58 =	vsel vm2, $0x1, v3;
	v13 =	vadd.s32 v57, v13  }
0x185: {  	v11 =	vnsel vm3, $0x0, v11;
	v59 =	vsel vm1, $0x1, v3;
	v13 =	vadd.s32 v58, v13  }
0x186: {  	v11 =	vadd.f32 v11, v12;
	v60 =	vadd.s32 v59, v13  }
0x187: {  	v10 =	vnsel vm2, $0x0, v10;
	v12 =	vsub.s32 v6, v60  }
0x188: {  	v10 =	vadd.f32 v10, v11;
	v61 =	vcvt.s32.f32 v12  }
0x189: {  	v8 =	vnsel vm1, $0x0, v8  }
0x18a: {  	v8 =	vadd.f32 v8, v10;
	v9 =	vmul.f32 v61, v9;
	_ =	sdelay $0x1  }
0x18b: {  	v8 =	vadd.f32 v9, v8  }
0x18c: {  	vm1 =	vlt.s32 v6, $0x1  }
0x18d: {  	vm2 =	vgt.s32 v6, $0x3F;
	v62 =	vsel vm1, $0x0, v8  }
0x18e: {  	v5 =	vbroadcast v5, $0x0;
	v6 =	vsel vm2, v7, v62  }
0x18f: {  	v4 =	vmul.f32 v6, v4  }
0x190: {  	vm1 =	vgt.s32 v5, v1;
	v63, _, _ =	vpop (xrf1)  }
0x191: {  	(xrf2) =	vadd.scan.msk.f32 $0xffff, v4;
	v4 =	vnsel vm1, $0x0, v63  }
0x192: {  	(xrf2) =	vadd.scan.msk.f32 $0xffff, v4;
	_ =	sdelay $0x8  }
0x193: {  	v4, _, _ =	vpop (xrf2)  }
0x194: {  	(v2sf) =	vpush v4, $0xF;
	v4, _, _ =	vpop (xrf2)  }
0x195: {  	(v2sf) =	vpush v4, $0xF;
	_ =	sdelay $0xd  }
0x196: {  	s0 =	spop (v2sf)  }
0x197: {  	s1 =	spop (v2sf)  }
0x198: {  	s1 =	smul.f32 s1, s17;
	_ =	sdelay $0x1  }
.Ltmp24:
0x199: {  	s0 =	sadd.f32 s0, s1;
	(pc) =	sbr.rel .LBB2_31-.Ltmp24, $4  }
0x19a: {  	_ = 	snop  }
0x19b: {  	v4 =	vmov s0  }
0x19c: {  	v4 =	vnsel vm0, $0x0, v4  }
0x19d: {  	[tilespmem:$0x2600] =	vst v4  }
.LBB2_32:
0x19e: {  	_ =	sfence.sel $0x180000  }
0x19f: {  	[bflag:$0x0] =	sbarrier.arrive $0xFFFF  }
0x1a0: {  	_ =	strace $0x90000047  }
0x1a1: {  	s0 =	stileid.u32;
	[bflag:$0x2] =	sbarrier.arrive $0xFFFF  }
0x1a2: {  	p0 =	sne.s32 s0, $0x0;
	s0 =	rddreg [dreg:$0x1]  }
0x1a3: {  	s0 =	sadd.s32 @!p0 $0x100000, s0  }
0x1a4: {  	[sflag:s0] =	ssyncadd.tile.s32 @!p0 $0x1;
	_ =	shalt  }
.Lfunc_end2:
_tile_overlayer_lowered:
.L_overlay_start_2:
0x1a5: {  	(tag) =	ssettag $0x2  }
0x1a6: {  	s0 =	rddreg [dreg:$0x0];
	s2 =	stileid.u32  }
0x1a7: {  	s1 =	rddreg [dreg:$0x1];
	p0 =	sne.s32 s2, $0x0  }
0x1a8: {  	s3 =	rddreg [dreg:$0x2];
	[bflag:$0x3] =	sbarrier.arrive $0xFFFF;
	s2 =	simm.s32 @!p0 $0x1C01  }
0x1a9: {  	[timem:s3], [sflag:s2] =	dma.local @!p0 [hbm:s0], s1  }
0x1aa: {  	s0 =	simm.s32 @!p0 $0x1  }
0x1ab: {  	_ =	swait.ge @!p0 [sflag:s0], s1  }
0x1ac: {  	s1 =	ssub.s32 @!p0 $0x0, s1;
	[sflag:s0] =	ssyncset.done @!p0 $0x0  }
0x1ad: {  	[sflag:s0] =	ssyncadd.s32 @!p0 s1  }
0x1ae: {  	[bflag:$0x3] =	sbarrier.arrive $0xFFFF  }
0x1af: {  	_ =	shalt  }

</sc_bundles>
